<compile_context>
chip_gen: v7x
topology: tpu7x:2x2x1
jax: 0.10.2.dev20260603
libtpu: 0.0.44.dev20260713+nightly
codegen_flags: <defaults>
</compile_context>

<pallas_src>
import functools

import numpy as np
import jax
import jax.numpy as jnp
from jax import lax
from jax.experimental import pallas as pl
from jax.experimental.pallas import tpu as pltpu
from jax.experimental.pallas import tpu_sc as plsc

_pallas_call = pl.pallas_call

NPOINT = 1024
RADIUS = 0.2
NSAMPLE = 32


def _fps_body(xyz_ref, newx_ref):
    x = xyz_ref[0]
    y = xyz_ref[1]
    z = xyz_ref[2]
    B, N = x.shape
    S = newx_ref.shape[2]
    lane_n = jax.lax.broadcasted_iota(jnp.int32, (1, N), 1)
    lane_s = jax.lax.broadcasted_iota(jnp.int32, (1, S), 1)

    def body(i, carry):
        dists, cx, cy, cz = carry
        sel_s = lane_s == i
        newx_ref[0] = jnp.where(sel_s, cx, newx_ref[0])
        newx_ref[1] = jnp.where(sel_s, cy, newx_ref[1])
        newx_ref[2] = jnp.where(sel_s, cz, newx_ref[2])
        dx = x - cx
        dy = y - cy
        dz = z - cz
        d = dx * dx + dy * dy + dz * dz
        dists = jnp.minimum(dists, d)
        m = jnp.max(dists, axis=1, keepdims=True)
        cand = jnp.where(dists == m, lane_n, N)
        far = jnp.min(cand, axis=1, keepdims=True)
        sel = lane_n == far
        cx = jnp.sum(jnp.where(sel, x, 0.0), axis=1, keepdims=True)
        cy = jnp.sum(jnp.where(sel, y, 0.0), axis=1, keepdims=True)
        cz = jnp.sum(jnp.where(sel, z, 0.0), axis=1, keepdims=True)
        return dists, cx, cy, cz

    dists0 = jnp.full((B, N), 1e10, dtype=jnp.float32)
    jax.lax.fori_loop(0, S, body, (dists0, x[:, :1], y[:, :1], z[:, :1]))


def _bq_body(xyz_ref, nx_ref, tri_ref, idx_ref, *, n, nsample, radius_sq, chunk):
    b = pl.program_id(0)
    tri = tri_ref[...]
    rb = nx_ref.shape[1]
    nx = nx_ref[0]
    cx = nx[:, 0:1]
    cy = nx[:, 1:2]
    cz = nx[:, 2:3]
    nch = n // chunk
    lane_c = jax.lax.broadcasted_iota(jnp.int32, (1, chunk), 1)
    svals = jax.lax.broadcasted_iota(jnp.int32, (1, nsample, 1), 1) + 1

    def cond(carry):
        c, cnt, _ = carry
        return jnp.logical_and(c < nch, jnp.min(cnt) < nsample)

    def body(carry):
        c, cnt, acc = carry
        jb = pl.multiple_of(c * chunk, chunk)
        xs = xyz_ref[0, 0:1, pl.ds(jb, chunk)]
        ys = xyz_ref[0, 1:2, pl.ds(jb, chunk)]
        zs = xyz_ref[0, 2:3, pl.ds(jb, chunk)]
        dx = xs - cx
        dy = ys - cy
        dz = zs - cz
        d = dx * dx + dy * dy + dz * dz
        m = d <= radius_sq
        pos = jnp.dot(m.astype(jnp.float32), tri,
                      preferred_element_type=jnp.float32).astype(jnp.int32)
        gpos = pos + cnt
        sval = jnp.where(jnp.logical_and(m, gpos <= nsample), gpos, 0)
        jglob = lane_c + jb
        e = sval[:, None, :] == svals
        contrib = jnp.sum(jnp.where(e, jglob[:, None, :], 0), axis=2)
        return c + 1, cnt + pos[:, chunk - 1:chunk], acc + contrib

    cnt0 = jnp.zeros((rb, 1), jnp.int32)
    acc0 = jnp.zeros((rb, nsample), jnp.int32)
    _, cnt, acc = jax.lax.while_loop(cond, body, (jnp.int32(0), cnt0, acc0))
    srange = jax.lax.broadcasted_iota(jnp.int32, (rb, nsample), 1)
    out = jnp.where(srange < cnt, acc, acc[:, 0:1])
    idx_ref[0] = out + b * n


def _sc_gather(table, idxf, *, chunk=128):
    _, C = table.shape
    M = idxf.shape[0]
    info = plsc.get_sparse_core_info()
    nw = info.num_cores * info.num_subcores
    per_w = M // nw
    nch = per_w // chunk
    mesh = plsc.VectorSubcoreMesh(core_axis_name="c", subcore_axis_name="s")

    @functools.partial(
        pl.kernel, mesh=mesh,
        out_type=jax.ShapeDtypeStruct((M, C), jnp.float32),
        scratch_types=[
            pltpu.VMEM((2, chunk), jnp.int32),
            pltpu.VMEM((2, chunk, C), jnp.float32),
            pltpu.SemaphoreType.DMA,
        ],
    )
    def k(table_hbm, idx_hbm, out_hbm, idx_v, rows_v, gsem):
        wid = lax.axis_index("s") * info.num_cores + lax.axis_index("c")
        base = wid * per_w

        def issue(i, slot):
            off = base + i * chunk
            pltpu.sync_copy(idx_hbm.at[pl.ds(off, chunk)], idx_v.at[slot])
            pltpu.async_copy(table_hbm.at[idx_v.at[slot]], rows_v.at[slot],
                             gsem)

        issue(0, 0)

        def body(i, _):
            slot = lax.rem(i, 2)

            @pl.when(i + 1 < nch)
            def _():
                issue(i + 1, 1 - slot)

            pltpu.make_async_copy(table_hbm.at[idx_v.at[slot]],
                                  rows_v.at[slot], gsem).wait()
            off = base + i * chunk
            pltpu.sync_copy(rows_v.at[slot], out_hbm.at[pl.ds(off, chunk)])
            return 0

        lax.fori_loop(0, nch, body, 0)

    return k(table, idxf)


def _g_body(xyz_ref, feat_ref, w1a_ref, w1b_ref, b1_ref, g_ref):
    g = (
        jnp.dot(xyz_ref[0], w1a_ref[...], preferred_element_type=jnp.float32)
        + jnp.dot(feat_ref[0], w1b_ref[...], preferred_element_type=jnp.float32)
        + b1_ref[...]
    )
    g_ref[0] = jnp.concatenate([g, jnp.zeros_like(g)], axis=1)


def _mlp_body(gg_ref, nx_ref, w1a_ref, w2_ref, b2_ref, w3_ref, b3_ref,
              out_ref, *, nsample):
    rbm = nx_ref.shape[1]
    q = jnp.dot(nx_ref[0], w1a_ref[...], preferred_element_type=jnp.float32)
    c = w1a_ref.shape[1]
    g = gg_ref[:, :c]
    h1 = jnp.maximum(g.reshape(rbm, nsample, c) - q[:, None, :], 0.0)
    h1 = h1.reshape(rbm * nsample, c)
    h2 = jnp.maximum(
        jnp.dot(h1, w2_ref[...], preferred_element_type=jnp.float32)
        + b2_ref[...], 0.0)
    h3 = jnp.maximum(
        jnp.dot(h2, w3_ref[...], preferred_element_type=jnp.float32)
        + b3_ref[...], 0.0)
    f = h3.shape[1]
    out_ref[0] = jnp.max(h3.reshape(rbm, nsample, f), axis=1)


def _run(xyz, features, W1, b1, W2, b2, W3, b3, *,
         npoint, radius, nsample, rb, chunk, rbm):
    B, N, _ = xyz.shape
    C = features.shape[2]
    F3 = W3.shape[1]

    xyzT = jnp.transpose(xyz, (2, 0, 1))
    newxT = _pallas_call(
        _fps_body,
        out_shape=jax.ShapeDtypeStruct((3, B, npoint), jnp.float32),
    )(xyzT)
    new_xyz = jnp.transpose(newxT, (1, 2, 0))

    xyzB = jnp.transpose(xyz, (0, 2, 1))
    r2 = np.float32(radius ** 2)
    tri = (jnp.arange(chunk, dtype=jnp.int32)[:, None]
           <= jnp.arange(chunk, dtype=jnp.int32)[None, :]).astype(jnp.float32)
    bq = functools.partial(_bq_body, n=N, nsample=nsample, radius_sq=r2,
                           chunk=chunk)
    idx = _pallas_call(
        bq,
        grid=(B, npoint // rb),
        in_specs=[
            pl.BlockSpec((1, 3, N), lambda b, s: (b, 0, 0)),
            pl.BlockSpec((1, rb, 3), lambda b, s: (b, s, 0)),
            pl.BlockSpec((chunk, chunk), lambda b, s: (0, 0)),
        ],
        out_specs=pl.BlockSpec((1, rb, nsample), lambda b, s: (b, s, 0)),
        out_shape=jax.ShapeDtypeStruct((B, npoint, nsample), jnp.int32),
    )(xyzB, new_xyz, tri)

    W1a = W1[:3]
    W1b = W1[3:]
    b1r = b1.reshape(1, -1)
    G = _pallas_call(
        _g_body,
        grid=(B,),
        in_specs=[
            pl.BlockSpec((1, N, 3), lambda b: (b, 0, 0)),
            pl.BlockSpec((1, N, C), lambda b: (b, 0, 0)),
            pl.BlockSpec(W1a.shape, lambda b: (0, 0)),
            pl.BlockSpec(W1b.shape, lambda b: (0, 0)),
            pl.BlockSpec(b1r.shape, lambda b: (0, 0)),
        ],
        out_specs=pl.BlockSpec((1, N, 2 * C), lambda b: (b, 0, 0)),
        out_shape=jax.ShapeDtypeStruct((B, N, 2 * C), jnp.float32),
    )(xyz, features, W1a, W1b, b1r)

    Gg = _sc_gather(G.reshape(B * N, 2 * C), idx.reshape(-1))

    b2r = b2.reshape(1, -1)
    b3r = b3.reshape(1, -1)
    nblk = npoint // rbm
    mlp = functools.partial(_mlp_body, nsample=nsample)
    out = _pallas_call(
        mlp,
        grid=(B, nblk),
        in_specs=[
            pl.BlockSpec((rbm * nsample, 2 * C), lambda b, s, nblk=nblk: (b * nblk + s, 0)),
            pl.BlockSpec((1, rbm, 3), lambda b, s: (b, s, 0)),
            pl.BlockSpec(W1a.shape, lambda b, s: (0, 0)),
            pl.BlockSpec(W2.shape, lambda b, s: (0, 0)),
            pl.BlockSpec(b2r.shape, lambda b, s: (0, 0)),
            pl.BlockSpec(W3.shape, lambda b, s: (0, 0)),
            pl.BlockSpec(b3r.shape, lambda b, s: (0, 0)),
        ],
        out_specs=pl.BlockSpec((1, rbm, F3), lambda b, s: (b, s, 0)),
        out_shape=jax.ShapeDtypeStruct((B, npoint, F3), jnp.float32),
    )(Gg, new_xyz, W1a, W2, b2r, W3, b3r)

    return new_xyz, jnp.transpose(out, (0, 2, 1))


def kernel(xyz, features, W1, b1, W2, b2, W3, b3):
    return _run(xyz, features, W1, b1, W2, b2, W3, b3,
                npoint=NPOINT, radius=RADIUS, nsample=NSAMPLE,
                rb=8, chunk=512, rbm=256)

# --- scband reference (transcript-rebuilt; emitter-appended) ---
"""Pipeline reference for scband-pointnet-samodule-base-8108898255445 (READ-ONLY COPY).

The authoritative reference and input builder live on the scoring server;
editing this copy changes nothing except your own understanding.
"""

import jax, jax.numpy as jnp
import numpy as np

NPOINT = 1024
RADIUS = 0.2
NSAMPLE = 32


def _index_points(points, idx):
    # points: [B, N, C], idx: [B, ...] int -> [B, ..., C]
    B = points.shape[0]
    batch_idx = jnp.arange(B).reshape((B,) + (1,) * (idx.ndim - 1))
    return points[batch_idx, idx]


def _fps(xyz, npoint):
    # furthest point sampling: xyz [B, N, 3] -> idx [B, npoint] int32
    B, N, _ = xyz.shape

    def body(i, state):
        idxs, dists, farthest = state
        idxs = idxs.at[:, i].set(farthest)
        centroid = _index_points(xyz, farthest[:, None])  # [B,1,3]
        d = jnp.sum((xyz - centroid) ** 2, axis=-1)  # [B,N]
        dists = jnp.minimum(dists, d)
        farthest = jnp.argmax(dists, axis=-1).astype(jnp.int32)
        return (idxs, dists, farthest)

    idxs0 = jnp.zeros((B, npoint), dtype=jnp.int32)
    dists0 = jnp.full((B, N), 1e10, dtype=jnp.float32)
    far0 = jnp.zeros((B,), dtype=jnp.int32)
    idxs, _, _ = jax.lax.fori_loop(0, npoint, body, (idxs0, dists0, far0))
    return idxs


def _ball_query(radius, nsample, xyz, new_xyz):
    # xyz [B,N,3], new_xyz [B,S,3] -> group_idx [B,S,nsample] int32
    B, N, _ = xyz.shape
    S = new_xyz.shape[1]
    sqrdists = jnp.sum((new_xyz[:, :, None, :] - xyz[:, None, :, :]) ** 2, axis=-1)  # [B,S,N]
    mask = sqrdists <= radius ** 2
    group_idx = jnp.broadcast_to(jnp.arange(N, dtype=jnp.int32), (B, S, N))
    group_idx = jnp.where(mask, group_idx, N)
    group_idx = jnp.sort(group_idx, axis=-1)[:, :, :nsample]
    group_first = group_idx[:, :, :1]
    group_idx = jnp.where(group_idx == N, group_first, group_idx)
    return group_idx


def setup_inputs(seed: int = 0) -> dict:
    key = jax.random.key(seed)
    k1, k2, k3, k4, k5 = jax.random.split(key, 5)
    xyz = jax.random.uniform(k1, (16, 4096, 3), dtype=jnp.float32)
    features = jax.random.normal(k2, (16, 4096, 64), dtype=jnp.float32)
    W1 = jax.random.normal(k3, (67, 64), dtype=jnp.float32) * 0.1
    b1 = jnp.zeros((64,), dtype=jnp.float32)
    W2 = jax.random.normal(k4, (64, 64), dtype=jnp.float32) * 0.1
    b2 = jnp.zeros((64,), dtype=jnp.float32)
    W3 = jax.random.normal(k5, (64, 128), dtype=jnp.float32) * 0.1
    b3 = jnp.zeros((128,), dtype=jnp.float32)
    return {"xyz": xyz, "features": features, "W1": W1, "b1": b1, "W2": W2, "b2": b2, "W3": W3, "b3": b3}


def reference(xyz, features, W1, b1, W2, b2, W3, b3):
    # _PointnetSAModuleBase.forward: FPS -> gather new_xyz -> ball-query group -> shared MLP -> max pool
    fps_idx = _fps(xyz, NPOINT)                       # furthest_point_sample
    new_xyz = _index_points(xyz, fps_idx)             # gather_operation + transpose -> [B, npoint, 3]
    group_idx = _ball_query(RADIUS, NSAMPLE, xyz, new_xyz)  # grouper
    grouped_xyz = _index_points(xyz, group_idx) - new_xyz[:, :, None, :]  # [B, S, ns, 3]
    grouped_feats = _index_points(features, group_idx)                     # [B, S, ns, C]
    h = jnp.concatenate([grouped_xyz, grouped_feats], axis=-1)             # [B, S, ns, 3+C]
    # shared MLP (Conv2d 1x1 + ReLU stack, BN folded)
    h = jax.nn.relu(h @ W1 + b1)
    h = jax.nn.relu(h @ W2 + b2)
    h = jax.nn.relu(h @ W3 + b3)
    new_features = jnp.max(h, axis=2)                 # max pool over nsample -> [B, S, 128]
    new_features = jnp.transpose(new_features, (0, 2, 1))  # [B, 128, npoint] (torch channel-first)
    return (new_xyz, new_features)

if __name__ == "__main__":
    import jax
    _d = setup_inputs()
    print(jax.jit(kernel)(*tuple(_d.values())))

</pallas_src>

<mosaic_0001>
#map = affine_map<(d0, d1) -> (0, 0)>
#map1 = affine_map<(d0, d1) -> (0)>
module attributes {stable_mosaic.version = 14 : i64} {
  func.func @k(%arg0: i32, %arg1: i32, %arg2: memref<65536x128xf32, #tpu.memory_space<hbm>>, %arg3: memref<524288xi32, #tpu.memory_space<hbm>>, %arg4: memref<524288x128xf32, #tpu.memory_space<hbm>>, %arg5: memref<2x128xi32, #tpu.memory_space<vmem>>, %arg6: memref<2x128x128xf32, #tpu.memory_space<vmem>>, %arg7: memref<!tpu.dma_semaphore, #tpu.memory_space<semaphore_mem>>) attributes {dimension_semantics = [#tpu.dimension_semantics<core_parallel>, #tpu.dimension_semantics<subcore_parallel>], iteration_bounds = array<i64: 2, 16>, scalar_prefetch = 0 : i64, scratch_operands = 3 : i64, tpu.core_type = #tpu.core_type<sc_vector_subcore>, window_params = [{transform_indices = #map}, {transform_indices = #map1}, {transform_indices = #map}]} {
    %mul3A = arith.constant 2 : i32
    %mul3A_0 = arith.muli %arg1, %mul3A : i32
    %add3A = arith.addi %mul3A_0, %arg0 : i32
    %mul3A_1 = arith.constant 16384 : i32
    %mul3A_2 = arith.muli %add3A, %mul3A_1 : i32
    %add3A_3 = arith.constant 0 : i32
    %add3A_4 = arith.addi %mul3A_2, %add3A_3 : i32
    %run_scoped3A = arith.constant 0 : i32
    "tpu.region"() ({
      %run_scoped3A_22 = tpu.sem_alloc : memref<!tpu.dma_semaphore, #tpu.memory_space<semaphore_mem>>
      %dma_start3A_23 = arith.constant 0 : i32
      %dma_start3A_24 = tpu.memref_slice %arg5[%run_scoped3A, %dma_start3A_23] : memref<2x128xi32, #tpu.memory_space<vmem>> -> memref<1x128xi32, #tpu.memory_space<vmem>>
      %dma_start3A_25 = tpu.memref_squeeze %dma_start3A_24 : memref<1x128xi32, #tpu.memory_space<vmem>> -> memref<128xi32, #tpu.memory_space<vmem>>
      %dma_start3A_26 = tpu.memref_slice %arg3[%add3A_4] : memref<524288xi32, #tpu.memory_space<hbm>> -> memref<128xi32, #tpu.memory_space<hbm>>
      %dma_start3A_27 = arith.constant 0 : i32
      %dma_start3A_28 = tpu.memref_slice %arg5[%run_scoped3A, %dma_start3A_27] : memref<2x128xi32, #tpu.memory_space<vmem>> -> memref<1x128xi32, #tpu.memory_space<vmem>>
      %dma_start3A_29 = tpu.memref_squeeze %dma_start3A_28 : memref<1x128xi32, #tpu.memory_space<vmem>> -> memref<128xi32, #tpu.memory_space<vmem>>
      %dma_start3A_30 = tpu.memref_slice %arg3[%add3A_4] : memref<524288xi32, #tpu.memory_space<hbm>> -> memref<128xi32, #tpu.memory_space<hbm>>
      tpu.enqueue_dma source(%dma_start3A_30 : memref<128xi32, #tpu.memory_space<hbm>>) target(%dma_start3A_29 : memref<128xi32, #tpu.memory_space<vmem>>) target_semaphore(%run_scoped3A_22 : memref<!tpu.dma_semaphore, #tpu.memory_space<semaphore_mem>>)
      %dma_wait3A = arith.constant 0 : i32
      %dma_wait3A_31 = tpu.memref_slice %arg5[%run_scoped3A, %dma_wait3A] : memref<2x128xi32, #tpu.memory_space<vmem>> -> memref<1x128xi32, #tpu.memory_space<vmem>>
      %dma_wait3A_32 = tpu.memref_squeeze %dma_wait3A_31 : memref<1x128xi32, #tpu.memory_space<vmem>> -> memref<128xi32, #tpu.memory_space<vmem>>
      %dma_wait3A_33 = tpu.memref_slice %arg3[%add3A_4] : memref<524288xi32, #tpu.memory_space<hbm>> -> memref<128xi32, #tpu.memory_space<hbm>>
      %dma_wait3A_34 = arith.constant 0 : i32
      %dma_wait3A_35 = tpu.memref_slice %arg5[%run_scoped3A, %dma_wait3A_34] : memref<2x128xi32, #tpu.memory_space<vmem>> -> memref<1x128xi32, #tpu.memory_space<vmem>>
      %dma_wait3A_36 = tpu.memref_squeeze %dma_wait3A_35 : memref<1x128xi32, #tpu.memory_space<vmem>> -> memref<128xi32, #tpu.memory_space<vmem>>
      %dma_wait3A_37 = tpu.memref_slice %arg3[%add3A_4] : memref<524288xi32, #tpu.memory_space<hbm>> -> memref<128xi32, #tpu.memory_space<hbm>>
      tpu.wait_dma2 semaphore(%run_scoped3A_22 : memref<!tpu.dma_semaphore, #tpu.memory_space<semaphore_mem>>) src(%dma_wait3A_37 : memref<128xi32, #tpu.memory_space<hbm>>) dst(%dma_wait3A_36 : memref<128xi32, #tpu.memory_space<vmem>>)
      tpu.yield
    }) : () -> ()
    %dma_start3A = arith.constant 0 : i32
    %dma_start3A_5 = arith.constant 0 : i32
    %dma_start3A_6 = arith.constant 0 : i32
    %dma_start3A_7 = arith.constant 0 : i32
    %dma_start3A_8 = tpu.memref_slice %arg6[%dma_start3A_5, %dma_start3A_6, %dma_start3A_7] : memref<2x128x128xf32, #tpu.memory_space<vmem>> -> memref<1x128x128xf32, #tpu.memory_space<vmem>>
    %dma_start3A_9 = tpu.memref_squeeze %dma_start3A_8 : memref<1x128x128xf32, #tpu.memory_space<vmem>> -> memref<128x128xf32, #tpu.memory_space<vmem>>
    %dma_start3A_10 = arith.constant 0 : i32
    %dma_start3A_11 = tpu.memref_slice %arg5[%dma_start3A, %dma_start3A_10] : memref<2x128xi32, #tpu.memory_space<vmem>> -> memref<1x128xi32, #tpu.memory_space<vmem>>
    %dma_start3A_12 = tpu.memref_squeeze %dma_start3A_11 : memref<1x128xi32, #tpu.memory_space<vmem>> -> memref<128xi32, #tpu.memory_space<vmem>>
    %dma_start3A_13 = arith.constant 0 : i32
    %dma_start3A_14 = arith.constant 0 : i32
    %dma_start3A_15 = tpu.memref_slice %arg2[%dma_start3A_13, %dma_start3A_14] : memref<65536x128xf32, #tpu.memory_space<hbm>> -> memref<65536x128xf32, #tpu.memory_space<hbm>>
    tpu.enqueue_indirect_dma source(%dma_start3A_15 : memref<65536x128xf32, #tpu.memory_space<hbm>>) target(%dma_start3A_9 : memref<128x128xf32, #tpu.memory_space<vmem>>) offsets(%dma_start3A_12 : memref<128xi32, #tpu.memory_space<vmem>>) semaphore(%arg7 : memref<!tpu.dma_semaphore, #tpu.memory_space<semaphore_mem>>)
    %scan3A = arith.constant 0 : i32
    %scan3A_16 = arith.constant 0 : i32
    %scan3A_17 = arith.constant 128 : i32
    %scan3A_18 = arith.addi %scan3A_16, %scan3A_17 : i32
    %scan3A_19 = arith.constant 1 : i32
    %scan3A_20 = scf.for %scan3A_22 = %scan3A_16 to %scan3A_18 step %scan3A_19 iter_args(%scan3A_23 = %scan3A) -> (i32)  : i32 {
      %rem3A = arith.constant 2 : i32
      %rem3A_24 = arith.remsi %scan3A_22, %rem3A : i32
      %add3A_25 = arith.constant 1 : i32
      %add3A_26 = arith.addi %scan3A_22, %add3A_25 : i32
      %lt3A = arith.constant 128 : i32
      %lt3A_27 = arith.cmpi slt, %add3A_26, %lt3A : i32
      %convert_element_type3A = arith.extui %lt3A_27 : i1 to i32
      %cond3A = arith.constant 0 : i32
      %cond3A_28 = arith.cmpi ne, %convert_element_type3A, %cond3A : i32
      scf.if %cond3A_28 {
        %add3A_42 = arith.constant 1 : i32
        %add3A_43 = arith.addi %scan3A_22, %add3A_42 : i32
        %sub3A = arith.constant 1 : i32
        %sub3A_44 = arith.subi %sub3A, %rem3A_24 : i32
        %mul3A_45 = arith.constant 128 : i32
        %mul3A_46 = arith.muli %add3A_43, %mul3A_45 : i32
        %add3A_47 = arith.addi %mul3A_2, %mul3A_46 : i32
        "tpu.region"() ({
          %run_scoped3A_58 = tpu.sem_alloc : memref<!tpu.dma_semaphore, #tpu.memory_space<semaphore_mem>>
          %dma_start3A_59 = arith.constant 0 : i32
          %dma_start3A_60 = tpu.memref_slice %arg5[%sub3A_44, %dma_start3A_59] : memref<2x128xi32, #tpu.memory_space<vmem>> -> memref<1x128xi32, #tpu.memory_space<vmem>>
          %dma_start3A_61 = tpu.memref_squeeze %dma_start3A_60 : memref<1x128xi32, #tpu.memory_space<vmem>> -> memref<128xi32, #tpu.memory_space<vmem>>
          %dma_start3A_62 = tpu.memref_slice %arg3[%add3A_47] : memref<524288xi32, #tpu.memory_space<hbm>> -> memref<128xi32, #tpu.memory_space<hbm>>
          %dma_start3A_63 = arith.constant 0 : i32
          %dma_start3A_64 = tpu.memref_slice %arg5[%sub3A_44, %dma_start3A_63] : memref<2x128xi32, #tpu.memory_space<vmem>> -> memref<1x128xi32, #tpu.memory_space<vmem>>
          %dma_start3A_65 = tpu.memref_squeeze %dma_start3A_64 : memref<1x128xi32, #tpu.memory_space<vmem>> -> memref<128xi32, #tpu.memory_space<vmem>>
          %dma_start3A_66 = tpu.memref_slice %arg3[%add3A_47] : memref<524288xi32, #tpu.memory_space<hbm>> -> memref<128xi32, #tpu.memory_space<hbm>>
          tpu.enqueue_dma source(%dma_start3A_66 : memref<128xi32, #tpu.memory_space<hbm>>) target(%dma_start3A_65 : memref<128xi32, #tpu.memory_space<vmem>>) target_semaphore(%run_scoped3A_58 : memref<!tpu.dma_semaphore, #tpu.memory_space<semaphore_mem>>)
          %dma_wait3A_67 = arith.constant 0 : i32
          %dma_wait3A_68 = tpu.memref_slice %arg5[%sub3A_44, %dma_wait3A_67] : memref<2x128xi32, #tpu.memory_space<vmem>> -> memref<1x128xi32, #tpu.memory_space<vmem>>
          %dma_wait3A_69 = tpu.memref_squeeze %dma_wait3A_68 : memref<1x128xi32, #tpu.memory_space<vmem>> -> memref<128xi32, #tpu.memory_space<vmem>>
          %dma_wait3A_70 = tpu.memref_slice %arg3[%add3A_47] : memref<524288xi32, #tpu.memory_space<hbm>> -> memref<128xi32, #tpu.memory_space<hbm>>
          %dma_wait3A_71 = arith.constant 0 : i32
          %dma_wait3A_72 = tpu.memref_slice %arg5[%sub3A_44, %dma_wait3A_71] : memref<2x128xi32, #tpu.memory_space<vmem>> -> memref<1x128xi32, #tpu.memory_space<vmem>>
          %dma_wait3A_73 = tpu.memref_squeeze %dma_wait3A_72 : memref<1x128xi32, #tpu.memory_space<vmem>> -> memref<128xi32, #tpu.memory_space<vmem>>
          %dma_wait3A_74 = tpu.memref_slice %arg3[%add3A_47] : memref<524288xi32, #tpu.memory_space<hbm>> -> memref<128xi32, #tpu.memory_space<hbm>>
          tpu.wait_dma2 semaphore(%run_scoped3A_58 : memref<!tpu.dma_semaphore, #tpu.memory_space<semaphore_mem>>) src(%dma_wait3A_74 : memref<128xi32, #tpu.memory_space<hbm>>) dst(%dma_wait3A_73 : memref<128xi32, #tpu.memory_space<vmem>>)
          tpu.yield
        }) : () -> ()
        %dma_start3A_48 = arith.constant 0 : i32
        %dma_start3A_49 = arith.constant 0 : i32
        %dma_start3A_50 = tpu.memref_slice %arg6[%sub3A_44, %dma_start3A_48, %dma_start3A_49] : memref<2x128x128xf32, #tpu.memory_space<vmem>> -> memref<1x128x128xf32, #tpu.memory_space<vmem>>
        %dma_start3A_51 = tpu.memref_squeeze %dma_start3A_50 : memref<1x128x128xf32, #tpu.memory_space<vmem>> -> memref<128x128xf32, #tpu.memory_space<vmem>>
        %dma_start3A_52 = arith.constant 0 : i32
        %dma_start3A_53 = tpu.memref_slice %arg5[%sub3A_44, %dma_start3A_52] : memref<2x128xi32, #tpu.memory_space<vmem>> -> memref<1x128xi32, #tpu.memory_space<vmem>>
        %dma_start3A_54 = tpu.memref_squeeze %dma_start3A_53 : memref<1x128xi32, #tpu.memory_space<vmem>> -> memref<128xi32, #tpu.memory_space<vmem>>
        %dma_start3A_55 = arith.constant 0 : i32
        %dma_start3A_56 = arith.constant 0 : i32
        %dma_start3A_57 = tpu.memref_slice %arg2[%dma_start3A_55, %dma_start3A_56] : memref<65536x128xf32, #tpu.memory_space<hbm>> -> memref<65536x128xf32, #tpu.memory_space<hbm>>
        tpu.enqueue_indirect_dma source(%dma_start3A_57 : memref<65536x128xf32, #tpu.memory_space<hbm>>) target(%dma_start3A_51 : memref<128x128xf32, #tpu.memory_space<vmem>>) offsets(%dma_start3A_54 : memref<128xi32, #tpu.memory_space<vmem>>) semaphore(%arg7 : memref<!tpu.dma_semaphore, #tpu.memory_space<semaphore_mem>>)
      } else {
      }
      %dma_wait3A = arith.constant 0 : i32
      %dma_wait3A_29 = arith.constant 0 : i32
      %dma_wait3A_30 = tpu.memref_slice %arg6[%rem3A_24, %dma_wait3A, %dma_wait3A_29] : memref<2x128x128xf32, #tpu.memory_space<vmem>> -> memref<1x128x128xf32, #tpu.memory_space<vmem>>
      %dma_wait3A_31 = tpu.memref_squeeze %dma_wait3A_30 : memref<1x128x128xf32, #tpu.memory_space<vmem>> -> memref<128x128xf32, #tpu.memory_space<vmem>>
      %dma_wait3A_32 = arith.constant 0 : i32
      %dma_wait3A_33 = tpu.memref_slice %arg5[%rem3A_24, %dma_wait3A_32] : memref<2x128xi32, #tpu.memory_space<vmem>> -> memref<1x128xi32, #tpu.memory_space<vmem>>
      %dma_wait3A_34 = tpu.memref_squeeze %dma_wait3A_33 : memref<1x128xi32, #tpu.memory_space<vmem>> -> memref<128xi32, #tpu.memory_space<vmem>>
      %dma_wait3A_35 = arith.constant 0 : i32
      %dma_wait3A_36 = arith.constant 0 : i32
      %dma_wait3A_37 = tpu.memref_slice %arg2[%dma_wait3A_35, %dma_wait3A_36] : memref<65536x128xf32, #tpu.memory_space<hbm>> -> memref<65536x128xf32, #tpu.memory_space<hbm>>
      tpu.wait_indirect_dma semaphore(%arg7 : memref<!tpu.dma_semaphore, #tpu.memory_space<semaphore_mem>>) src(%dma_wait3A_37 : memref<65536x128xf32, #tpu.memory_space<hbm>>) dst(%dma_wait3A_31 : memref<128x128xf32, #tpu.memory_space<vmem>>)
      %mul3A_38 = arith.constant 128 : i32
      %mul3A_39 = arith.muli %scan3A_22, %mul3A_38 : i32
      %add3A_40 = arith.addi %mul3A_2, %mul3A_39 : i32
      "tpu.region"() ({
        %run_scoped3A_42 = tpu.sem_alloc : memref<!tpu.dma_semaphore, #tpu.memory_space<semaphore_mem>>
        %dma_start3A_43 = arith.constant 0 : i32
        %dma_start3A_44 = arith.constant 0 : i32
        %dma_start3A_45 = tpu.memref_slice %arg6[%rem3A_24, %dma_start3A_43, %dma_start3A_44] : memref<2x128x128xf32, #tpu.memory_space<vmem>> -> memref<1x128x128xf32, #tpu.memory_space<vmem>>
        %dma_start3A_46 = tpu.memref_squeeze %dma_start3A_45 : memref<1x128x128xf32, #tpu.memory_space<vmem>> -> memref<128x128xf32, #tpu.memory_space<vmem>>
        %dma_start3A_47 = arith.constant 0 : i32
        %dma_start3A_48 = tpu.memref_slice %arg4[%add3A_40, %dma_start3A_47] : memref<524288x128xf32, #tpu.memory_space<hbm>> -> memref<128x128xf32, #tpu.memory_space<hbm>>
        %dma_start3A_49 = arith.constant 0 : i32
        %dma_start3A_50 = tpu.memref_slice %arg4[%add3A_40, %dma_start3A_49] : memref<524288x128xf32, #tpu.memory_space<hbm>> -> memref<128x128xf32, #tpu.memory_space<hbm>>
        %dma_start3A_51 = arith.constant 0 : i32
        %dma_start3A_52 = arith.constant 0 : i32
        %dma_start3A_53 = tpu.memref_slice %arg6[%rem3A_24, %dma_start3A_51, %dma_start3A_52] : memref<2x128x128xf32, #tpu.memory_space<vmem>> -> memref<1x128x128xf32, #tpu.memory_space<vmem>>
        %dma_start3A_54 = tpu.memref_squeeze %dma_start3A_53 : memref<1x128x128xf32, #tpu.memory_space<vmem>> -> memref<128x128xf32, #tpu.memory_space<vmem>>
        tpu.enqueue_dma source(%dma_start3A_54 : memref<128x128xf32, #tpu.memory_space<vmem>>) target(%dma_start3A_50 : memref<128x128xf32, #tpu.memory_space<hbm>>) target_semaphore(%run_scoped3A_42 : memref<!tpu.dma_semaphore, #tpu.memory_space<semaphore_mem>>)
        %dma_wait3A_55 = arith.constant 0 : i32
        %dma_wait3A_56 = arith.constant 0 : i32
        %dma_wait3A_57 = tpu.memref_slice %arg6[%rem3A_24, %dma_wait3A_55, %dma_wait3A_56] : memref<2x128x128xf32, #tpu.memory_space<vmem>> -> memref<1x128x128xf32, #tpu.memory_space<vmem>>
        %dma_wait3A_58 = tpu.memref_squeeze %dma_wait3A_57 : memref<1x128x128xf32, #tpu.memory_space<vmem>> -> memref<128x128xf32, #tpu.memory_space<vmem>>
        %dma_wait3A_59 = arith.constant 0 : i32
        %dma_wait3A_60 = tpu.memref_slice %arg4[%add3A_40, %dma_wait3A_59] : memref<524288x128xf32, #tpu.memory_space<hbm>> -> memref<128x128xf32, #tpu.memory_space<hbm>>
        %dma_wait3A_61 = arith.constant 0 : i32
        %dma_wait3A_62 = tpu.memref_slice %arg4[%add3A_40, %dma_wait3A_61] : memref<524288x128xf32, #tpu.memory_space<hbm>> -> memref<128x128xf32, #tpu.memory_space<hbm>>
        %dma_wait3A_63 = arith.constant 0 : i32
        %dma_wait3A_64 = arith.constant 0 : i32
        %dma_wait3A_65 = tpu.memref_slice %arg6[%rem3A_24, %dma_wait3A_63, %dma_wait3A_64] : memref<2x128x128xf32, #tpu.memory_space<vmem>> -> memref<1x128x128xf32, #tpu.memory_space<vmem>>
        %dma_wait3A_66 = tpu.memref_squeeze %dma_wait3A_65 : memref<1x128x128xf32, #tpu.memory_space<vmem>> -> memref<128x128xf32, #tpu.memory_space<vmem>>
        tpu.wait_dma2 semaphore(%run_scoped3A_42 : memref<!tpu.dma_semaphore, #tpu.memory_space<semaphore_mem>>) src(%dma_wait3A_66 : memref<128x128xf32, #tpu.memory_space<vmem>>) dst(%dma_wait3A_62 : memref<128x128xf32, #tpu.memory_space<hbm>>)
        tpu.yield
      }) : () -> ()
      %scan3A_41 = arith.constant 0 : i32
      scf.yield %scan3A_41 : i32
    }
    %scan3A_21 = arith.constant 128 : i32
    return
  }
}

module attributes {stable_mosaic.version = 14 : i64} {
  func.func @_bq_body(%arg0: i32, %arg1: i32, %arg2: memref<1x3x4096xf32, #tpu.memory_space<vmem>>, %arg3: memref<1x8x3xf32, #tpu.memory_space<vmem>>, %arg4: memref<512x512xf32, #tpu.memory_space<vmem>>, %arg5: memref<1x8x32xi32, #tpu.memory_space<vmem>>) attributes {dimension_semantics = [#tpu.dimension_semantics<arbitrary>, #tpu.dimension_semantics<arbitrary>], iteration_bounds = array<i64: 16, 128>, scalar_prefetch = 0 : i64, scratch_operands = 0 : i64, tpu.core_type = #tpu.core_type<tc>, window_params = [{transform_indices = @transform_0, window_bounds = array<i64: 1, 3, 4096>}, {transform_indices = @transform_1, window_bounds = array<i64: 1, 8, 3>}, {pipeline_mode = #tpu.pipeline_mode<synchronous>, transform_indices = @transform_2, window_bounds = array<i64: 512, 512>}, {transform_indices = @transform_3, window_bounds = array<i64: 1, 8, 32>}]} {
    %get3A = arith.constant 0 : index
    %get3A_0 = arith.constant 0 : index
    %get3A_1 = vector.load %arg4[%get3A, %get3A_0] : memref<512x512xf32, #tpu.memory_space<vmem>>, vector<512x512xf32>
    %get3A_2 = arith.constant 0 : index
    %get3A_3 = arith.constant 0 : index
    %get3A_4 = arith.constant 0 : index
    %get3A_5 = vector.load %arg3[%get3A_2, %get3A_3, %get3A_4] : memref<1x8x3xf32, #tpu.memory_space<vmem>>, vector<1x8x3xf32>
    %get3A_6 = vector.shape_cast %get3A_5 : vector<1x8x3xf32> to vector<8x3xf32>
    %slice3A = vector.extract_strided_slice %get3A_6 {offsets = [0, 0], sizes = [8, 1], strides = [1, 1]} : vector<8x3xf32> to vector<8x1xf32>
    %slice3A_7 = vector.extract_strided_slice %get3A_6 {offsets = [0, 1], sizes = [8, 1], strides = [1, 1]} : vector<8x3xf32> to vector<8x1xf32>
    %slice3A_8 = vector.extract_strided_slice %get3A_6 {offsets = [0, 2], sizes = [8, 1], strides = [1, 1]} : vector<8x3xf32> to vector<8x1xf32>
    %iota3A = tpu.iota {dimensions = array<i32: 1>} : vector<1x512xi32>
    %iota3A_9 = tpu.iota {dimensions = array<i32: 1>} : vector<1x32x1xi32>
    %add3A = arith.constant 1 : i32
    %add3A_10 = vector.broadcast %add3A : i32 to vector<1x32x1xi32>
    %add3A_11 = arith.addi %iota3A_9, %add3A_10 : vector<1x32x1xi32>
    %broadcast_in_dim3A = arith.constant 0 : i32
    %broadcast_in_dim3A_12 = vector.broadcast %broadcast_in_dim3A : i32 to vector<8x1xi32>
    %broadcast_in_dim3A_13 = arith.constant 0 : i32
    %broadcast_in_dim3A_14 = vector.broadcast %broadcast_in_dim3A_13 : i32 to vector<8x32xi32>
    %while3A = arith.constant 0 : i32
    %while3A_15:3 = scf.while (%while3A_29 = %while3A, %while3A_30 = %broadcast_in_dim3A_12, %while3A_31 = %broadcast_in_dim3A_14) : (i32, vector<8x1xi32>, vector<8x32xi32>) -> (i32, vector<8x1xi32>, vector<8x32xi32>) {
      %lt3A_32 = arith.constant 8 : i32
      %lt3A_33 = arith.cmpi slt, %while3A_29, %lt3A_32 : i32
      %reduce_min3A = vector.shape_cast %while3A_30 : vector<8x1xi32> to vector<1x8x1xi32>
      %reduce_min3A_34 = arith.constant dense<2147483647> : vector<1xi32>
      %reduce_min3A_35 = vector.multi_reduction <minsi>, %reduce_min3A, %reduce_min3A_34 [1, 2] : vector<1x8x1xi32> to vector<1xi32>
      %reduce_min3A_36 = vector.shape_cast %reduce_min3A_35 : vector<1xi32> to vector<1x1x1xi32>
      %reduce_min3A_37 = vector.extract %reduce_min3A_36[0, 0, 0] : i32 from vector<1x1x1xi32>
      %lt3A_38 = arith.constant 32 : i32
      %lt3A_39 = arith.cmpi slt, %reduce_min3A_37, %lt3A_38 : i32
      %and3A = arith.andi %lt3A_33, %lt3A_39 : i1
      scf.condition(%and3A) %while3A_29, %while3A_30, %while3A_31 : i32, vector<8x1xi32>, vector<8x32xi32>
    } do {
    ^bb0(%while3A_29: i32, %while3A_30: vector<8x1xi32>, %while3A_31: vector<8x32xi32>):
      %mul3A_32 = arith.constant 512 : i32
      %mul3A_33 = arith.muli %while3A_29, %mul3A_32 : i32
      %multiple_of3A = tpu.assume_multiple %mul3A_33, 512 : i32
      %get3A_34 = arith.constant 0 : index
      %get3A_35 = arith.constant 0 : index
      %get3A_36 = arith.index_cast %multiple_of3A : i32 to index
      %get3A_37 = vector.load %arg2[%get3A_34, %get3A_35, %get3A_36] : memref<1x3x4096xf32, #tpu.memory_space<vmem>>, vector<1x1x512xf32>
      %get3A_38 = vector.shape_cast %get3A_37 : vector<1x1x512xf32> to vector<1x512xf32>
      %get3A_39 = arith.constant 0 : index
      %get3A_40 = arith.constant 1 : index
      %get3A_41 = arith.index_cast %multiple_of3A : i32 to index
      %get3A_42 = vector.load %arg2[%get3A_39, %get3A_40, %get3A_41] : memref<1x3x4096xf32, #tpu.memory_space<vmem>>, vector<1x1x512xf32>
      %get3A_43 = vector.shape_cast %get3A_42 : vector<1x1x512xf32> to vector<1x512xf32>
      %get3A_44 = arith.constant 0 : index
      %get3A_45 = arith.constant 2 : index
      %get3A_46 = arith.index_cast %multiple_of3A : i32 to index
      %get3A_47 = vector.load %arg2[%get3A_44, %get3A_45, %get3A_46] : memref<1x3x4096xf32, #tpu.memory_space<vmem>>, vector<1x1x512xf32>
      %get3A_48 = vector.shape_cast %get3A_47 : vector<1x1x512xf32> to vector<1x512xf32>
      %sub3A = vector.broadcast %get3A_38 : vector<1x512xf32> to vector<8x512xf32>
      %sub3A_49 = vector.broadcast %slice3A : vector<8x1xf32> to vector<8x512xf32>
      %sub3A_50 = arith.subf %sub3A, %sub3A_49 : vector<8x512xf32>
      %sub3A_51 = vector.broadcast %get3A_43 : vector<1x512xf32> to vector<8x512xf32>
      %sub3A_52 = vector.broadcast %slice3A_7 : vector<8x1xf32> to vector<8x512xf32>
      %sub3A_53 = arith.subf %sub3A_51, %sub3A_52 : vector<8x512xf32>
      %sub3A_54 = vector.broadcast %get3A_48 : vector<1x512xf32> to vector<8x512xf32>
      %sub3A_55 = vector.broadcast %slice3A_8 : vector<8x1xf32> to vector<8x512xf32>
      %sub3A_56 = arith.subf %sub3A_54, %sub3A_55 : vector<8x512xf32>
      %mul3A_57 = arith.mulf %sub3A_50, %sub3A_50 : vector<8x512xf32>
      %mul3A_58 = arith.mulf %sub3A_53, %sub3A_53 : vector<8x512xf32>
      %add3A_59 = arith.addf %mul3A_57, %mul3A_58 : vector<8x512xf32>
      %mul3A_60 = arith.mulf %sub3A_56, %sub3A_56 : vector<8x512xf32>
      %add3A_61 = arith.addf %add3A_59, %mul3A_60 : vector<8x512xf32>
      %le3A = arith.constant 4.000000e-02 : f32
      %le3A_62 = vector.broadcast %le3A : f32 to vector<8x512xf32>
      %le3A_63 = arith.cmpf ole, %add3A_61, %le3A_62 : vector<8x512xf32>
      %convert_element_type3A = arith.extui %le3A_63 : vector<8x512xi1> to vector<8x512xi32>
      %convert_element_type3A_64 = arith.sitofp %convert_element_type3A : vector<8x512xi32> to vector<8x512xf32>
      %dot_general3A = arith.constant dense<0.000000e+00> : vector<8x512xf32>
      %dot_general3A_65 = tpu.matmul %convert_element_type3A_64, %get3A_1, %dot_general3A {dimension_numbers = #tpu.dot_dimension_numbers<[1], [0], [0], [1], [0, 0, 1, 1], [], []>, transpose_lhs_hint = false} : vector<8x512xf32>, vector<512x512xf32>, vector<8x512xf32> -> vector<8x512xf32>
      %convert_element_type3A_66 = arith.fptosi %dot_general3A_65 : vector<8x512xf32> to vector<8x512xi32>
      %add3A_67 = vector.broadcast %while3A_30 : vector<8x1xi32> to vector<8x512xi32>
      %add3A_68 = arith.addi %convert_element_type3A_66, %add3A_67 : vector<8x512xi32>
      %le3A_69 = arith.constant 32 : i32
      %le3A_70 = vector.broadcast %le3A_69 : i32 to vector<8x512xi32>
      %le3A_71 = arith.cmpi sle, %add3A_68, %le3A_70 : vector<8x512xi32>
      %and3A = arith.andi %le3A_63, %le3A_71 : vector<8x512xi1>
      %jit3A = arith.constant 0 : i32
      %broadcast_in_dim3A_72 = vector.broadcast %jit3A : i32 to vector<8x512xi32>
      %select_n3A_73 = arith.select %and3A, %add3A_68, %broadcast_in_dim3A_72 : vector<8x512xi1>, vector<8x512xi32>
      %add3A_74 = vector.broadcast %multiple_of3A : i32 to vector<1x512xi32>
      %add3A_75 = arith.addi %iota3A, %add3A_74 : vector<1x512xi32>
      %broadcast_in_dim3A_76 = vector.shape_cast %select_n3A_73 : vector<8x512xi32> to vector<8x1x512xi32>
      %eq3A = vector.broadcast %broadcast_in_dim3A_76 : vector<8x1x512xi32> to vector<8x32x512xi32>
      %eq3A_77 = vector.broadcast %add3A_11 : vector<1x32x1xi32> to vector<8x32x512xi32>
      %eq3A_78 = arith.cmpi eq, %eq3A, %eq3A_77 : vector<8x32x512xi32>
      %broadcast_in_dim3A_79 = vector.shape_cast %add3A_75 : vector<1x512xi32> to vector<1x1x512xi32>
      %jit3A_80 = arith.constant 0 : i32
      %broadcast_in_dim3A_81 = vector.shape_cast %broadcast_in_dim3A_79 : vector<1x1x512xi32> to vector<1x1x512xi32>
      %broadcast_in_dim3A_82 = vector.broadcast %broadcast_in_dim3A_81 : vector<1x1x512xi32> to vector<8x32x512xi32>
      %broadcast_in_dim3A_83 = vector.broadcast %jit3A_80 : i32 to vector<8x32x512xi32>
      %select_n3A_84 = arith.select %eq3A_78, %broadcast_in_dim3A_82, %broadcast_in_dim3A_83 : vector<8x32x512xi1>, vector<8x32x512xi32>
      %reduce_sum3A = arith.constant dense<0> : vector<8x32xi32>
      %reduce_sum3A_85 = vector.multi_reduction <add>, %select_n3A_84, %reduce_sum3A [2] : vector<8x32x512xi32> to vector<8x32xi32>
      %add3A_86 = arith.constant 1 : i32
      %add3A_87 = arith.addi %while3A_29, %add3A_86 : i32
      %slice3A_88 = vector.extract_strided_slice %convert_element_type3A_66 {offsets = [0, 511], sizes = [8, 1], strides = [1, 1]} : vector<8x512xi32> to vector<8x1xi32>
      %add3A_89 = arith.addi %while3A_30, %slice3A_88 : vector<8x1xi32>
      %add3A_90 = arith.addi %while3A_31, %reduce_sum3A_85 : vector<8x32xi32>
      scf.yield %add3A_87, %add3A_89, %add3A_90 : i32, vector<8x1xi32>, vector<8x32xi32>
    }
    %iota3A_16 = tpu.iota {dimensions = array<i32: 1>} : vector<8x32xi32>
    %lt3A = vector.broadcast %while3A_15#1 : vector<8x1xi32> to vector<8x32xi32>
    %lt3A_17 = arith.cmpi slt, %iota3A_16, %lt3A : vector<8x32xi32>
    %slice3A_18 = vector.extract_strided_slice %while3A_15#2 {offsets = [0, 0], sizes = [8, 1], strides = [1, 1]} : vector<8x32xi32> to vector<8x1xi32>
    %broadcast_in_dim3A_19 = vector.shape_cast %slice3A_18 : vector<8x1xi32> to vector<8x1xi32>
    %broadcast_in_dim3A_20 = vector.broadcast %broadcast_in_dim3A_19 : vector<8x1xi32> to vector<8x32xi32>
    %select_n3A = arith.select %lt3A_17, %while3A_15#2, %broadcast_in_dim3A_20 : vector<8x32xi1>, vector<8x32xi32>
    %mul3A = arith.constant 4096 : i32
    %mul3A_21 = arith.muli %arg0, %mul3A : i32
    %add3A_22 = vector.broadcast %mul3A_21 : i32 to vector<8x32xi32>
    %add3A_23 = arith.addi %select_n3A, %add3A_22 : vector<8x32xi32>
    %swap3A = arith.constant 0 : index
    %swap3A_24 = arith.constant 0 : index
    %swap3A_25 = arith.constant 0 : index
    %swap3A_26 = vector.load %arg5[%swap3A, %swap3A_24, %swap3A_25] : memref<1x8x32xi32, #tpu.memory_space<vmem>>, vector<1x8x32xi32>
    %swap3A_27 = vector.shape_cast %swap3A_26 : vector<1x8x32xi32> to vector<8x32xi32>
    %swap3A_28 = vector.shape_cast %add3A_23 : vector<8x32xi32> to vector<1x8x32xi32>
    tpu.vector_store %arg5[%swap3A, %swap3A_24, %swap3A_25], %swap3A_28 {strides = array<i32>} : memref<1x8x32xi32, #tpu.memory_space<vmem>>, vector<1x8x32xi32>,
    return
  }
  func.func @transform_0(%arg0: i32, %arg1: i32) -> (i32, i32, i32) {
    %c0_i32 = arith.constant 0 : i32
    %c0_i32_0 = arith.constant 0 : i32
    %c0_i32_1 = arith.constant 0 : i32
    return %arg0, %c0_i32, %c0_i32_0 : i32, i32, i32
  }
  func.func @transform_1(%arg0: i32, %arg1: i32) -> (i32, i32, i32) {
    %c0_i32 = arith.constant 0 : i32
    %c0_i32_0 = arith.constant 0 : i32
    return %arg0, %arg1, %c0_i32 : i32, i32, i32
  }
  func.func @transform_2(%arg0: i32, %arg1: i32) -> (i32, i32) {
    %c0_i32 = arith.constant 0 : i32
    %c0_i32_0 = arith.constant 0 : i32
    %c0_i32_1 = arith.constant 0 : i32
    return %c0_i32, %c0_i32_0 : i32, i32
  }
  func.func @transform_3(%arg0: i32, %arg1: i32) -> (i32, i32, i32) {
    %c0_i32 = arith.constant 0 : i32
    %c0_i32_0 = arith.constant 0 : i32
    return %arg0, %arg1, %c0_i32 : i32, i32, i32
  }
}

module attributes {stable_mosaic.version = 14 : i64} {
  func.func @_fps_body(%arg0: memref<3x16x4096xf32, #tpu.memory_space<vmem>>, %arg1: memref<3x16x1024xf32, #tpu.memory_space<vmem>>) attributes {dimension_semantics = [], scalar_prefetch = 0 : i64, scratch_operands = 0 : i64, tpu.core_type = #tpu.core_type<tc>} {
    %get3A = arith.constant 0 : index
    %get3A_0 = arith.constant 0 : index
    %get3A_1 = arith.constant 0 : index
    %get3A_2 = vector.load %arg0[%get3A, %get3A_0, %get3A_1] : memref<3x16x4096xf32, #tpu.memory_space<vmem>>, vector<1x16x4096xf32>
    %get3A_3 = vector.shape_cast %get3A_2 : vector<1x16x4096xf32> to vector<16x4096xf32>
    %get3A_4 = arith.constant 1 : index
    %get3A_5 = arith.constant 0 : index
    %get3A_6 = arith.constant 0 : index
    %get3A_7 = vector.load %arg0[%get3A_4, %get3A_5, %get3A_6] : memref<3x16x4096xf32, #tpu.memory_space<vmem>>, vector<1x16x4096xf32>
    %get3A_8 = vector.shape_cast %get3A_7 : vector<1x16x4096xf32> to vector<16x4096xf32>
    %get3A_9 = arith.constant 2 : index
    %get3A_10 = arith.constant 0 : index
    %get3A_11 = arith.constant 0 : index
    %get3A_12 = vector.load %arg0[%get3A_9, %get3A_10, %get3A_11] : memref<3x16x4096xf32, #tpu.memory_space<vmem>>, vector<1x16x4096xf32>
    %get3A_13 = vector.shape_cast %get3A_12 : vector<1x16x4096xf32> to vector<16x4096xf32>
    %iota3A = tpu.iota {dimensions = array<i32: 1>} : vector<1x4096xi32>
    %iota3A_14 = tpu.iota {dimensions = array<i32: 1>} : vector<1x1024xi32>
    %broadcast_in_dim3A = arith.constant 1.000000e+10 : f32
    %broadcast_in_dim3A_15 = vector.broadcast %broadcast_in_dim3A : f32 to vector<16x4096xf32>
    %slice3A = vector.extract_strided_slice %get3A_3 {offsets = [0, 0], sizes = [16, 1], strides = [1, 1]} : vector<16x4096xf32> to vector<16x1xf32>
    %slice3A_16 = vector.extract_strided_slice %get3A_8 {offsets = [0, 0], sizes = [16, 1], strides = [1, 1]} : vector<16x4096xf32> to vector<16x1xf32>
    %slice3A_17 = vector.extract_strided_slice %get3A_13 {offsets = [0, 0], sizes = [16, 1], strides = [1, 1]} : vector<16x4096xf32> to vector<16x1xf32>
    %scan3A = arith.constant 0 : i32
    %scan3A_18 = arith.constant 1024 : i32
    %scan3A_19 = arith.addi %scan3A, %scan3A_18 : i32
    %scan3A_20 = arith.constant 1 : i32
    %scan3A_21:4 = scf.for %scan3A_23 = %scan3A to %scan3A_19 step %scan3A_20 iter_args(%scan3A_24 = %broadcast_in_dim3A_15, %scan3A_25 = %slice3A, %scan3A_26 = %slice3A_16, %scan3A_27 = %slice3A_17) -> (vector<16x4096xf32>, vector<16x1xf32>, vector<16x1xf32>, vector<16x1xf32>)  : i32 {
      %eq3A = vector.broadcast %scan3A_23 : i32 to vector<1x1024xi32>
      %eq3A_28 = arith.cmpi eq, %iota3A_14, %eq3A : vector<1x1024xi32>
      %get3A_29 = arith.constant 0 : index
      %get3A_30 = arith.constant 0 : index
      %get3A_31 = arith.constant 0 : index
      %get3A_32 = vector.load %arg1[%get3A_29, %get3A_30, %get3A_31] : memref<3x16x1024xf32, #tpu.memory_space<vmem>>, vector<1x16x1024xf32>
      %get3A_33 = vector.shape_cast %get3A_32 : vector<1x16x1024xf32> to vector<16x1024xf32>
      %broadcast_in_dim3A_34 = vector.shape_cast %eq3A_28 : vector<1x1024xi1> to vector<1x1024xi1>
      %broadcast_in_dim3A_35 = vector.broadcast %broadcast_in_dim3A_34 : vector<1x1024xi1> to vector<16x1024xi1>
      %broadcast_in_dim3A_36 = vector.shape_cast %scan3A_25 : vector<16x1xf32> to vector<16x1xf32>
      %broadcast_in_dim3A_37 = vector.broadcast %broadcast_in_dim3A_36 : vector<16x1xf32> to vector<16x1024xf32>
      %select_n3A = arith.select %broadcast_in_dim3A_35, %broadcast_in_dim3A_37, %get3A_33 : vector<16x1024xi1>, vector<16x1024xf32>
      %swap3A = arith.constant 0 : index
      %swap3A_38 = arith.constant 0 : index
      %swap3A_39 = arith.constant 0 : index
      %swap3A_40 = vector.load %arg1[%swap3A, %swap3A_38, %swap3A_39] : memref<3x16x1024xf32, #tpu.memory_space<vmem>>, vector<1x16x1024xf32>
      %swap3A_41 = vector.shape_cast %swap3A_40 : vector<1x16x1024xf32> to vector<16x1024xf32>
      %swap3A_42 = vector.shape_cast %select_n3A : vector<16x1024xf32> to vector<1x16x1024xf32>
      tpu.vector_store %arg1[%swap3A, %swap3A_38, %swap3A_39], %swap3A_42 {strides = array<i32>} : memref<3x16x1024xf32, #tpu.memory_space<vmem>>, vector<1x16x1024xf32>,
      %get3A_43 = arith.constant 1 : index
      %get3A_44 = arith.constant 0 : index
      %get3A_45 = arith.constant 0 : index
      %get3A_46 = vector.load %arg1[%get3A_43, %get3A_44, %get3A_45] : memref<3x16x1024xf32, #tpu.memory_space<vmem>>, vector<1x16x1024xf32>
      %get3A_47 = vector.shape_cast %get3A_46 : vector<1x16x1024xf32> to vector<16x1024xf32>
      %broadcast_in_dim3A_48 = vector.shape_cast %eq3A_28 : vector<1x1024xi1> to vector<1x1024xi1>
      %broadcast_in_dim3A_49 = vector.broadcast %broadcast_in_dim3A_48 : vector<1x1024xi1> to vector<16x1024xi1>
      %broadcast_in_dim3A_50 = vector.shape_cast %scan3A_26 : vector<16x1xf32> to vector<16x1xf32>
      %broadcast_in_dim3A_51 = vector.broadcast %broadcast_in_dim3A_50 : vector<16x1xf32> to vector<16x1024xf32>
      %select_n3A_52 = arith.select %broadcast_in_dim3A_49, %broadcast_in_dim3A_51, %get3A_47 : vector<16x1024xi1>, vector<16x1024xf32>
      %swap3A_53 = arith.constant 1 : index
      %swap3A_54 = arith.constant 0 : index
      %swap3A_55 = arith.constant 0 : index
      %swap3A_56 = vector.load %arg1[%swap3A_53, %swap3A_54, %swap3A_55] : memref<3x16x1024xf32, #tpu.memory_space<vmem>>, vector<1x16x1024xf32>
      %swap3A_57 = vector.shape_cast %swap3A_56 : vector<1x16x1024xf32> to vector<16x1024xf32>
      %swap3A_58 = vector.shape_cast %select_n3A_52 : vector<16x1024xf32> to vector<1x16x1024xf32>
      tpu.vector_store %arg1[%swap3A_53, %swap3A_54, %swap3A_55], %swap3A_58 {strides = array<i32>} : memref<3x16x1024xf32, #tpu.memory_space<vmem>>, vector<1x16x1024xf32>,
      %get3A_59 = arith.constant 2 : index
      %get3A_60 = arith.constant 0 : index
      %get3A_61 = arith.constant 0 : index
      %get3A_62 = vector.load %arg1[%get3A_59, %get3A_60, %get3A_61] : memref<3x16x1024xf32, #tpu.memory_space<vmem>>, vector<1x16x1024xf32>
      %get3A_63 = vector.shape_cast %get3A_62 : vector<1x16x1024xf32> to vector<16x1024xf32>
      %broadcast_in_dim3A_64 = vector.shape_cast %eq3A_28 : vector<1x1024xi1> to vector<1x1024xi1>
      %broadcast_in_dim3A_65 = vector.broadcast %broadcast_in_dim3A_64 : vector<1x1024xi1> to vector<16x1024xi1>
      %broadcast_in_dim3A_66 = vector.shape_cast %scan3A_27 : vector<16x1xf32> to vector<16x1xf32>
      %broadcast_in_dim3A_67 = vector.broadcast %broadcast_in_dim3A_66 : vector<16x1xf32> to vector<16x1024xf32>
      %select_n3A_68 = arith.select %broadcast_in_dim3A_65, %broadcast_in_dim3A_67, %get3A_63 : vector<16x1024xi1>, vector<16x1024xf32>
      %swap3A_69 = arith.constant 2 : index
      %swap3A_70 = arith.constant 0 : index
      %swap3A_71 = arith.constant 0 : index
      %swap3A_72 = vector.load %arg1[%swap3A_69, %swap3A_70, %swap3A_71] : memref<3x16x1024xf32, #tpu.memory_space<vmem>>, vector<1x16x1024xf32>
      %swap3A_73 = vector.shape_cast %swap3A_72 : vector<1x16x1024xf32> to vector<16x1024xf32>
      %swap3A_74 = vector.shape_cast %select_n3A_68 : vector<16x1024xf32> to vector<1x16x1024xf32>
      tpu.vector_store %arg1[%swap3A_69, %swap3A_70, %swap3A_71], %swap3A_74 {strides = array<i32>} : memref<3x16x1024xf32, #tpu.memory_space<vmem>>, vector<1x16x1024xf32>,
      %sub3A = vector.broadcast %scan3A_25 : vector<16x1xf32> to vector<16x4096xf32>
      %sub3A_75 = arith.subf %get3A_3, %sub3A : vector<16x4096xf32>
      %sub3A_76 = vector.broadcast %scan3A_26 : vector<16x1xf32> to vector<16x4096xf32>
      %sub3A_77 = arith.subf %get3A_8, %sub3A_76 : vector<16x4096xf32>
      %sub3A_78 = vector.broadcast %scan3A_27 : vector<16x1xf32> to vector<16x4096xf32>
      %sub3A_79 = arith.subf %get3A_13, %sub3A_78 : vector<16x4096xf32>
      %mul3A = arith.mulf %sub3A_75, %sub3A_75 : vector<16x4096xf32>
      %mul3A_80 = arith.mulf %sub3A_77, %sub3A_77 : vector<16x4096xf32>
      %add3A = arith.addf %mul3A, %mul3A_80 : vector<16x4096xf32>
      %mul3A_81 = arith.mulf %sub3A_79, %sub3A_79 : vector<16x4096xf32>
      %add3A_82 = arith.addf %add3A, %mul3A_81 : vector<16x4096xf32>
      %min3A = arith.minimumf %scan3A_24, %add3A_82 : vector<16x4096xf32>
      %reduce_max3A = arith.constant dense<0xFF800000> : vector<16xf32>
      %reduce_max3A_83 = vector.multi_reduction <maximumf>, %min3A, %reduce_max3A [1] : vector<16x4096xf32> to vector<16xf32>
      %broadcast_in_dim3A_84 = vector.shape_cast %reduce_max3A_83 : vector<16xf32> to vector<16x1xf32>
      %eq3A_85 = vector.broadcast %broadcast_in_dim3A_84 : vector<16x1xf32> to vector<16x4096xf32>
      %eq3A_86 = arith.cmpf oeq, %min3A, %eq3A_85 : vector<16x4096xf32>
      %jit3A = arith.constant 4096 : i32
      %broadcast_in_dim3A_87 = vector.shape_cast %iota3A : vector<1x4096xi32> to vector<1x4096xi32>
      %broadcast_in_dim3A_88 = vector.broadcast %broadcast_in_dim3A_87 : vector<1x4096xi32> to vector<16x4096xi32>
      %broadcast_in_dim3A_89 = vector.broadcast %jit3A : i32 to vector<16x4096xi32>
      %select_n3A_90 = arith.select %eq3A_86, %broadcast_in_dim3A_88, %broadcast_in_dim3A_89 : vector<16x4096xi1>, vector<16x4096xi32>
      %reduce_min3A = arith.constant dense<2147483647> : vector<16xi32>
      %reduce_min3A_91 = vector.multi_reduction <minsi>, %select_n3A_90, %reduce_min3A [1] : vector<16x4096xi32> to vector<16xi32>
      %broadcast_in_dim3A_92 = vector.shape_cast %reduce_min3A_91 : vector<16xi32> to vector<16x1xi32>
      %eq3A_93 = vector.broadcast %iota3A : vector<1x4096xi32> to vector<16x4096xi32>
      %eq3A_94 = vector.broadcast %broadcast_in_dim3A_92 : vector<16x1xi32> to vector<16x4096xi32>
      %eq3A_95 = arith.cmpi eq, %eq3A_93, %eq3A_94 : vector<16x4096xi32>
      %jit3A_96 = arith.constant 0.000000e+00 : f32
      %broadcast_in_dim3A_97 = vector.broadcast %jit3A_96 : f32 to vector<16x4096xf32>
      %select_n3A_98 = arith.select %eq3A_95, %get3A_3, %broadcast_in_dim3A_97 : vector<16x4096xi1>, vector<16x4096xf32>
      %reduce_sum3A = arith.constant dense<0.000000e+00> : vector<16xf32>
      %reduce_sum3A_99 = vector.multi_reduction <add>, %select_n3A_98, %reduce_sum3A [1] : vector<16x4096xf32> to vector<16xf32>
      %broadcast_in_dim3A_100 = vector.shape_cast %reduce_sum3A_99 : vector<16xf32> to vector<16x1xf32>
      %jit3A_101 = arith.constant 0.000000e+00 : f32
      %broadcast_in_dim3A_102 = vector.broadcast %jit3A_101 : f32 to vector<16x4096xf32>
      %select_n3A_103 = arith.select %eq3A_95, %get3A_8, %broadcast_in_dim3A_102 : vector<16x4096xi1>, vector<16x4096xf32>
      %reduce_sum3A_104 = arith.constant dense<0.000000e+00> : vector<16xf32>
      %reduce_sum3A_105 = vector.multi_reduction <add>, %select_n3A_103, %reduce_sum3A_104 [1] : vector<16x4096xf32> to vector<16xf32>
      %broadcast_in_dim3A_106 = vector.shape_cast %reduce_sum3A_105 : vector<16xf32> to vector<16x1xf32>
      %jit3A_107 = arith.constant 0.000000e+00 : f32
      %broadcast_in_dim3A_108 = vector.broadcast %jit3A_107 : f32 to vector<16x4096xf32>
      %select_n3A_109 = arith.select %eq3A_95, %get3A_13, %broadcast_in_dim3A_108 : vector<16x4096xi1>, vector<16x4096xf32>
      %reduce_sum3A_110 = arith.constant dense<0.000000e+00> : vector<16xf32>
      %reduce_sum3A_111 = vector.multi_reduction <add>, %select_n3A_109, %reduce_sum3A_110 [1] : vector<16x4096xf32> to vector<16xf32>
      %broadcast_in_dim3A_112 = vector.shape_cast %reduce_sum3A_111 : vector<16xf32> to vector<16x1xf32>
      scf.yield %min3A, %broadcast_in_dim3A_100, %broadcast_in_dim3A_106, %broadcast_in_dim3A_112 : vector<16x4096xf32>, vector<16x1xf32>, vector<16x1xf32>, vector<16x1xf32>
    }
    %scan3A_22 = arith.constant 1024 : i32
    return
  }
}

module attributes {stable_mosaic.version = 14 : i64} {
  func.func @_g_body(%arg0: i32, %arg1: memref<1x4096x3xf32, #tpu.memory_space<vmem>>, %arg2: memref<1x4096x64xf32, #tpu.memory_space<vmem>>, %arg3: memref<3x64xf32, #tpu.memory_space<vmem>>, %arg4: memref<64x64xf32, #tpu.memory_space<vmem>>, %arg5: memref<1x64xf32, #tpu.memory_space<vmem>>, %arg6: memref<1x4096x128xf32, #tpu.memory_space<vmem>>) attributes {dimension_semantics = [#tpu.dimension_semantics<arbitrary>], iteration_bounds = array<i64: 16>, scalar_prefetch = 0 : i64, scratch_operands = 0 : i64, tpu.core_type = #tpu.core_type<tc>, window_params = [{transform_indices = @transform_0, window_bounds = array<i64: 1, 4096, 3>}, {transform_indices = @transform_1, window_bounds = array<i64: 1, 4096, 64>}, {pipeline_mode = #tpu.pipeline_mode<synchronous>, transform_indices = @transform_2, window_bounds = array<i64: 3, 64>}, {pipeline_mode = #tpu.pipeline_mode<synchronous>, transform_indices = @transform_3, window_bounds = array<i64: 64, 64>}, {pipeline_mode = #tpu.pipeline_mode<synchronous>, transform_indices = @transform_4, window_bounds = array<i64: 1, 64>}, {transform_indices = @transform_5, window_bounds = array<i64: 1, 4096, 128>}]} {
    %get3A = arith.constant 0 : index
    %get3A_0 = arith.constant 0 : index
    %get3A_1 = arith.constant 0 : index
    %get3A_2 = vector.load %arg1[%get3A, %get3A_0, %get3A_1] : memref<1x4096x3xf32, #tpu.memory_space<vmem>>, vector<1x4096x3xf32>
    %get3A_3 = vector.shape_cast %get3A_2 : vector<1x4096x3xf32> to vector<4096x3xf32>
    %get3A_4 = arith.constant 0 : index
    %get3A_5 = arith.constant 0 : index
    %get3A_6 = vector.load %arg3[%get3A_4, %get3A_5] : memref<3x64xf32, #tpu.memory_space<vmem>>, vector<3x64xf32>
    %dot_general3A = arith.constant dense<0.000000e+00> : vector<4096x64xf32>
    %dot_general3A_7 = tpu.matmul %get3A_3, %get3A_6, %dot_general3A {dimension_numbers = #tpu.dot_dimension_numbers<[1], [0], [0], [1], [0, 0, 1, 1], [], []>, transpose_lhs_hint = false} : vector<4096x3xf32>, vector<3x64xf32>, vector<4096x64xf32> -> vector<4096x64xf32>
    %get3A_8 = arith.constant 0 : index
    %get3A_9 = arith.constant 0 : index
    %get3A_10 = arith.constant 0 : index
    %get3A_11 = vector.load %arg2[%get3A_8, %get3A_9, %get3A_10] : memref<1x4096x64xf32, #tpu.memory_space<vmem>>, vector<1x4096x64xf32>
    %get3A_12 = vector.shape_cast %get3A_11 : vector<1x4096x64xf32> to vector<4096x64xf32>
    %get3A_13 = arith.constant 0 : index
    %get3A_14 = arith.constant 0 : index
    %get3A_15 = vector.load %arg4[%get3A_13, %get3A_14] : memref<64x64xf32, #tpu.memory_space<vmem>>, vector<64x64xf32>
    %dot_general3A_16 = arith.constant dense<0.000000e+00> : vector<4096x64xf32>
    %dot_general3A_17 = tpu.matmul %get3A_12, %get3A_15, %dot_general3A_16 {dimension_numbers = #tpu.dot_dimension_numbers<[1], [0], [0], [1], [0, 0, 1, 1], [], []>, transpose_lhs_hint = false} : vector<4096x64xf32>, vector<64x64xf32>, vector<4096x64xf32> -> vector<4096x64xf32>
    %add3A = arith.addf %dot_general3A_7, %dot_general3A_17 : vector<4096x64xf32>
    %get3A_18 = arith.constant 0 : index
    %get3A_19 = arith.constant 0 : index
    %get3A_20 = vector.load %arg5[%get3A_18, %get3A_19] : memref<1x64xf32, #tpu.memory_space<vmem>>, vector<1x64xf32>
    %add3A_21 = vector.broadcast %get3A_20 : vector<1x64xf32> to vector<4096x64xf32>
    %add3A_22 = arith.addf %add3A, %add3A_21 : vector<4096x64xf32>
    %broadcast_in_dim3A = arith.constant 0.000000e+00 : f32
    %broadcast_in_dim3A_23 = vector.broadcast %broadcast_in_dim3A : f32 to vector<4096x64xf32>
    %concatenate3A = tpu.concatenate %add3A_22, %broadcast_in_dim3A_23 in 1 : vector<4096x64xf32>, vector<4096x64xf32> -> vector<4096x128xf32>
    %swap3A = arith.constant 0 : index
    %swap3A_24 = arith.constant 0 : index
    %swap3A_25 = arith.constant 0 : index
    %swap3A_26 = vector.load %arg6[%swap3A, %swap3A_24, %swap3A_25] : memref<1x4096x128xf32, #tpu.memory_space<vmem>>, vector<1x4096x128xf32>
    %swap3A_27 = vector.shape_cast %swap3A_26 : vector<1x4096x128xf32> to vector<4096x128xf32>
    %swap3A_28 = vector.shape_cast %concatenate3A : vector<4096x128xf32> to vector<1x4096x128xf32>
    tpu.vector_store %arg6[%swap3A, %swap3A_24, %swap3A_25], %swap3A_28 {strides = array<i32>} : memref<1x4096x128xf32, #tpu.memory_space<vmem>>, vector<1x4096x128xf32>,
    return
  }
  func.func @transform_0(%arg0: i32) -> (i32, i32, i32) {
    %c0_i32 = arith.constant 0 : i32
    %c0_i32_0 = arith.constant 0 : i32
    %c0_i32_1 = arith.constant 0 : i32
    return %arg0, %c0_i32, %c0_i32_0 : i32, i32, i32
  }
  func.func @transform_1(%arg0: i32) -> (i32, i32, i32) {
    %c0_i32 = arith.constant 0 : i32
    %c0_i32_0 = arith.constant 0 : i32
    %c0_i32_1 = arith.constant 0 : i32
    return %arg0, %c0_i32, %c0_i32_0 : i32, i32, i32
  }
  func.func @transform_2(%arg0: i32) -> (i32, i32) {
    %c0_i32 = arith.constant 0 : i32
    %c0_i32_0 = arith.constant 0 : i32
    %c0_i32_1 = arith.constant 0 : i32
    return %c0_i32, %c0_i32_0 : i32, i32
  }
  func.func @transform_3(%arg0: i32) -> (i32, i32) {
    %c0_i32 = arith.constant 0 : i32
    %c0_i32_0 = arith.constant 0 : i32
    %c0_i32_1 = arith.constant 0 : i32
    return %c0_i32, %c0_i32_0 : i32, i32
  }
  func.func @transform_4(%arg0: i32) -> (i32, i32) {
    %c0_i32 = arith.constant 0 : i32
    %c0_i32_0 = arith.constant 0 : i32
    %c0_i32_1 = arith.constant 0 : i32
    return %c0_i32, %c0_i32_0 : i32, i32
  }
  func.func @transform_5(%arg0: i32) -> (i32, i32, i32) {
    %c0_i32 = arith.constant 0 : i32
    %c0_i32_0 = arith.constant 0 : i32
    %c0_i32_1 = arith.constant 0 : i32
    return %arg0, %c0_i32, %c0_i32_0 : i32, i32, i32
  }
}

module attributes {stable_mosaic.version = 14 : i64} {
  func.func @_mlp_body(%arg0: i32, %arg1: i32, %arg2: memref<8192x128xf32, #tpu.memory_space<vmem>>, %arg3: memref<1x256x3xf32, #tpu.memory_space<vmem>>, %arg4: memref<3x64xf32, #tpu.memory_space<vmem>>, %arg5: memref<64x64xf32, #tpu.memory_space<vmem>>, %arg6: memref<1x64xf32, #tpu.memory_space<vmem>>, %arg7: memref<64x128xf32, #tpu.memory_space<vmem>>, %arg8: memref<1x128xf32, #tpu.memory_space<vmem>>, %arg9: memref<1x256x128xf32, #tpu.memory_space<vmem>>) attributes {dimension_semantics = [#tpu.dimension_semantics<arbitrary>, #tpu.dimension_semantics<arbitrary>], iteration_bounds = array<i64: 16, 4>, scalar_prefetch = 0 : i64, scratch_operands = 0 : i64, tpu.core_type = #tpu.core_type<tc>, window_params = [{transform_indices = @transform_0, window_bounds = array<i64: 8192, 128>}, {transform_indices = @transform_1, window_bounds = array<i64: 1, 256, 3>}, {pipeline_mode = #tpu.pipeline_mode<synchronous>, transform_indices = @transform_2, window_bounds = array<i64: 3, 64>}, {pipeline_mode = #tpu.pipeline_mode<synchronous>, transform_indices = @transform_3, window_bounds = array<i64: 64, 64>}, {pipeline_mode = #tpu.pipeline_mode<synchronous>, transform_indices = @transform_4, window_bounds = array<i64: 1, 64>}, {pipeline_mode = #tpu.pipeline_mode<synchronous>, transform_indices = @transform_5, window_bounds = array<i64: 64, 128>}, {pipeline_mode = #tpu.pipeline_mode<synchronous>, transform_indices = @transform_6, window_bounds = array<i64: 1, 128>}, {transform_indices = @transform_7, window_bounds = array<i64: 1, 256, 128>}]} {
    %get3A = arith.constant 0 : index
    %get3A_0 = arith.constant 0 : index
    %get3A_1 = arith.constant 0 : index
    %get3A_2 = vector.load %arg3[%get3A, %get3A_0, %get3A_1] : memref<1x256x3xf32, #tpu.memory_space<vmem>>, vector<1x256x3xf32>
    %get3A_3 = vector.shape_cast %get3A_2 : vector<1x256x3xf32> to vector<256x3xf32>
    %get3A_4 = arith.constant 0 : index
    %get3A_5 = arith.constant 0 : index
    %get3A_6 = vector.load %arg4[%get3A_4, %get3A_5] : memref<3x64xf32, #tpu.memory_space<vmem>>, vector<3x64xf32>
    %dot_general3A = arith.constant dense<0.000000e+00> : vector<256x64xf32>
    %dot_general3A_7 = tpu.matmul %get3A_3, %get3A_6, %dot_general3A {dimension_numbers = #tpu.dot_dimension_numbers<[1], [0], [0], [1], [0, 0, 1, 1], [], []>, transpose_lhs_hint = false} : vector<256x3xf32>, vector<3x64xf32>, vector<256x64xf32> -> vector<256x64xf32>
    %get3A_8 = arith.constant 0 : index
    %get3A_9 = arith.constant 0 : index
    %get3A_10 = vector.load %arg2[%get3A_8, %get3A_9] : memref<8192x128xf32, #tpu.memory_space<vmem>>, vector<8192x64xf32>
    %reshape3A = vector.shape_cast %get3A_10 : vector<8192x64xf32> to vector<256x32x64xf32>
    %broadcast_in_dim3A = vector.shape_cast %dot_general3A_7 : vector<256x64xf32> to vector<256x1x64xf32>
    %sub3A = vector.broadcast %broadcast_in_dim3A : vector<256x1x64xf32> to vector<256x32x64xf32>
    %sub3A_11 = arith.subf %reshape3A, %sub3A : vector<256x32x64xf32>
    %max3A = arith.constant 0.000000e+00 : f32
    %max3A_12 = vector.broadcast %max3A : f32 to vector<256x32x64xf32>
    %max3A_13 = arith.maximumf %sub3A_11, %max3A_12 : vector<256x32x64xf32>
    %reshape3A_14 = vector.shape_cast %max3A_13 : vector<256x32x64xf32> to vector<8192x64xf32>
    %get3A_15 = arith.constant 0 : index
    %get3A_16 = arith.constant 0 : index
    %get3A_17 = vector.load %arg5[%get3A_15, %get3A_16] : memref<64x64xf32, #tpu.memory_space<vmem>>, vector<64x64xf32>
    %dot_general3A_18 = arith.constant dense<0.000000e+00> : vector<8192x64xf32>
    %dot_general3A_19 = tpu.matmul %reshape3A_14, %get3A_17, %dot_general3A_18 {dimension_numbers = #tpu.dot_dimension_numbers<[1], [0], [0], [1], [0, 0, 1, 1], [], []>, transpose_lhs_hint = false} : vector<8192x64xf32>, vector<64x64xf32>, vector<8192x64xf32> -> vector<8192x64xf32>
    %get3A_20 = arith.constant 0 : index
    %get3A_21 = arith.constant 0 : index
    %get3A_22 = vector.load %arg6[%get3A_20, %get3A_21] : memref<1x64xf32, #tpu.memory_space<vmem>>, vector<1x64xf32>
    %add3A = vector.broadcast %get3A_22 : vector<1x64xf32> to vector<8192x64xf32>
    %add3A_23 = arith.addf %dot_general3A_19, %add3A : vector<8192x64xf32>
    %max3A_24 = arith.constant 0.000000e+00 : f32
    %max3A_25 = vector.broadcast %max3A_24 : f32 to vector<8192x64xf32>
    %max3A_26 = arith.maximumf %add3A_23, %max3A_25 : vector<8192x64xf32>
    %get3A_27 = arith.constant 0 : index
    %get3A_28 = arith.constant 0 : index
    %get3A_29 = vector.load %arg7[%get3A_27, %get3A_28] : memref<64x128xf32, #tpu.memory_space<vmem>>, vector<64x128xf32>
    %dot_general3A_30 = arith.constant dense<0.000000e+00> : vector<8192x128xf32>
    %dot_general3A_31 = tpu.matmul %max3A_26, %get3A_29, %dot_general3A_30 {dimension_numbers = #tpu.dot_dimension_numbers<[1], [0], [0], [1], [0, 0, 1, 1], [], []>, transpose_lhs_hint = false} : vector<8192x64xf32>, vector<64x128xf32>, vector<8192x128xf32> -> vector<8192x128xf32>
    %get3A_32 = arith.constant 0 : index
    %get3A_33 = arith.constant 0 : index
    %get3A_34 = vector.load %arg8[%get3A_32, %get3A_33] : memref<1x128xf32, #tpu.memory_space<vmem>>, vector<1x128xf32>
    %add3A_35 = vector.broadcast %get3A_34 : vector<1x128xf32> to vector<8192x128xf32>
    %add3A_36 = arith.addf %dot_general3A_31, %add3A_35 : vector<8192x128xf32>
    %max3A_37 = arith.constant 0.000000e+00 : f32
    %max3A_38 = vector.broadcast %max3A_37 : f32 to vector<8192x128xf32>
    %max3A_39 = arith.maximumf %add3A_36, %max3A_38 : vector<8192x128xf32>
    %reshape3A_40 = vector.shape_cast %max3A_39 : vector<8192x128xf32> to vector<256x32x128xf32>
    %reduce_max3A = arith.constant dense<0xFF800000> : vector<256x128xf32>
    %reduce_max3A_41 = vector.multi_reduction <maximumf>, %reshape3A_40, %reduce_max3A [1] : vector<256x32x128xf32> to vector<256x128xf32>
    %swap3A = arith.constant 0 : index
    %swap3A_42 = arith.constant 0 : index
    %swap3A_43 = arith.constant 0 : index
    %swap3A_44 = vector.load %arg9[%swap3A, %swap3A_42, %swap3A_43] : memref<1x256x128xf32, #tpu.memory_space<vmem>>, vector<1x256x128xf32>
    %swap3A_45 = vector.shape_cast %swap3A_44 : vector<1x256x128xf32> to vector<256x128xf32>
    %swap3A_46 = vector.shape_cast %reduce_max3A_41 : vector<256x128xf32> to vector<1x256x128xf32>
    tpu.vector_store %arg9[%swap3A, %swap3A_42, %swap3A_43], %swap3A_46 {strides = array<i32>} : memref<1x256x128xf32, #tpu.memory_space<vmem>>, vector<1x256x128xf32>,
    return
  }
  func.func @transform_0(%arg0: i32, %arg1: i32) -> (i32, i32) {
    %mul3A = arith.constant 4 : i32
    %mul3A_0 = arith.muli %arg0, %mul3A : i32
    %add3A = arith.addi %mul3A_0, %arg1 : i32
    %c0_i32 = arith.constant 0 : i32
    %c0_i32_1 = arith.constant 0 : i32
    return %add3A, %c0_i32 : i32, i32
  }
  func.func @transform_1(%arg0: i32, %arg1: i32) -> (i32, i32, i32) {
    %c0_i32 = arith.constant 0 : i32
    %c0_i32_0 = arith.constant 0 : i32
    return %arg0, %arg1, %c0_i32 : i32, i32, i32
  }
  func.func @transform_2(%arg0: i32, %arg1: i32) -> (i32, i32) {
    %c0_i32 = arith.constant 0 : i32
    %c0_i32_0 = arith.constant 0 : i32
    %c0_i32_1 = arith.constant 0 : i32
    return %c0_i32, %c0_i32_0 : i32, i32
  }
  func.func @transform_3(%arg0: i32, %arg1: i32) -> (i32, i32) {
    %c0_i32 = arith.constant 0 : i32
    %c0_i32_0 = arith.constant 0 : i32
    %c0_i32_1 = arith.constant 0 : i32
    return %c0_i32, %c0_i32_0 : i32, i32
  }
  func.func @transform_4(%arg0: i32, %arg1: i32) -> (i32, i32) {
    %c0_i32 = arith.constant 0 : i32
    %c0_i32_0 = arith.constant 0 : i32
    %c0_i32_1 = arith.constant 0 : i32
    return %c0_i32, %c0_i32_0 : i32, i32
  }
  func.func @transform_5(%arg0: i32, %arg1: i32) -> (i32, i32) {
    %c0_i32 = arith.constant 0 : i32
    %c0_i32_0 = arith.constant 0 : i32
    %c0_i32_1 = arith.constant 0 : i32
    return %c0_i32, %c0_i32_0 : i32, i32
  }
  func.func @transform_6(%arg0: i32, %arg1: i32) -> (i32, i32) {
    %c0_i32 = arith.constant 0 : i32
    %c0_i32_0 = arith.constant 0 : i32
    %c0_i32_1 = arith.constant 0 : i32
    return %c0_i32, %c0_i32_0 : i32, i32
  }
  func.func @transform_7(%arg0: i32, %arg1: i32) -> (i32, i32, i32) {
    %c0_i32 = arith.constant 0 : i32
    %c0_i32_0 = arith.constant 0 : i32
    return %arg0, %arg1, %c0_i32 : i32, i32, i32
  }
}

</mosaic_0001>

<sc_bundles>
// kernel: kernel.7.cloned.1.call-start
scs
__scs_entry_jumppad:
0x0: {  	(pc) =	sbr.rel $0x88, $3  }
0x1: {  	(tag) =	ssettag $0x0;
	lr =	simm.s32 $0x1  }
0x2: {  	[smem:$0x3F99] =	sst lr;
	_ =	strace $0xD0000000  }
0x3: {  	_ = 	snop  }
0x4: {  	_ = 	snop  }
0x5: {  	_ = 	snop  }
0x6: {  	_ = 	snop  }
0x7: {  	_ = 	snop  }
__scs_overlays_trampoline_lowered:
0x8: {  	[smem:$0x3FA8] =	sst s0  }
0x9: {  	[smem:$0x3FA9] =	sst s1  }
0xa: {  	[smem:$0x3FAA] =	sst s2  }
0xb: {  	[smem:$0x3FAB] =	sst s3  }
0xc: {  	[smem:$0x3FAC] =	sst s4  }
0xd: {  	[smem:$0x3FAD] =	sst s5  }
0xe: {  	[smem:$0x3FAE] =	sst s6  }
0xf: {  	[smem:$0x3FAF] =	sst s7  }
0x10: {  	[smem:$0x3FB0] =	sst s8  }
0x11: {  	[smem:$0x3FB1] =	sst s9;
	s0 =	simm.s32 @!p0 $0x0  }
0x12: {  	s1 =	sld [smem:$0x3F97];
	s0 =	simm.s32 @p0 $0x1  }
0x13: {  	[smem:$0x3FB2] =	sst s0;
	s0 =	simm.s32 @!p1 $0x0  }
0x14: {  	s2 =	sld [smem:$0x3F96];
	s0 =	simm.s32 @p1 $0x1  }
0x15: {  	[smem:$0x3FB3] =	sst s0;
	s0 =	simm.s32 @!p2 $0x0  }
0x16: {  	s3 =	sld [smem:$0x3FDB];
	s0 =	simm.s32 @p2 $0x1  }
0x17: {  	s4 =	simm.s32 $0x1BF5;
	[smem:$0x3FB5] =	sst s0  }
0x18: {  	s0 =	sld [smem:$0x3F98];
	_ =	swait.ge [sflag:s4], $0x0  }
0x19: {  	s7 =	sld [smem:$0x3F99]  }
0x1a: {  	s8 =	sadd.s32 $0xFFFFE003, lr  }
0x1b: {  	s9 =	sadd.s32 $0xFFFFFEF7, lr;
	s5 =	simm.s32 $0xFFFFFFFF;
	p2 =	slt.u32 s8, $0xFFFFF086  }
0x1c: {  	p1 =	slt.u32 s9, $0xF7A;
	s5 =	simm.s32 @!p2 $0x0  }
0x1d: {  	s5 =	simm.s32 @p1 $0x1;
	p0 =	seq.s32 s7, s2  }
0x1e: {  	s7 =	smul.u32 @!p0 $0xF7A, s2;
	p2 =	seq.s32 @!p0 s5, $0x0  }
0x1f: {  	s9 =	smul.u32 $0xF7A, s1;
	s8 =	simm.s32 @!p0 $0x1BF5;
	p2 =	por !p2, p0  }
0x20: {  	[sflag:s8] =	ssyncset.s32 @!p0 $0xFFFFF086;
	s6 =	sadd.s32 @!p0 s3, s7;
	s7 =	simm.s32 @!p0 $0x108  }
0x21: {  	s3 =	sadd.s32 s3, s9;
	s6 =	sadd.s32 @!p0 $0x88, s6;
	s7 =	simm.s32 @p2 $0x1082  }
0x22: {  	[simem:s7], [sflag:s8] =	dma.local @!p0 [hbm:s6], $0xF7A  }
0x23: {  	s9 =	sor.u32 $0xD0000000, s2;
	s6 =	simm.s32 $0x108;
	_ =	swait.ge @!p0 [sflag:s8], $0x0  }
0x24: {  	s3 =	sadd.s32 $0x88, s3;
	s6 =	simm.s32 @!p1 $0x1082;
	[sflag:s4] =	ssyncset.s32 $0xFFFFF086  }
0x25: {  	[simem:s6], [sflag:s4] =	dma.local [hbm:s3], $0xF7A  }
0x26: {  	[smem:$0x3F99] =	sst s1;
	(tag) =	ssettag s2;
	_ =	strace s9  }
0x27: {  	s1 =	sld [smem:$0x3FA9]  }
0x28: {  	s2 =	sld [smem:$0x3FAA]  }
0x29: {  	s4 =	sld [smem:$0x3FAC]  }
0x2a: {  	p0 =	seq.s32 s5, $0x0;
	s5 =	sld [smem:$0x3FAD]  }
0x2b: {  	s6 =	sld [smem:$0x3FAE]  }
0x2c: {  	s7 =	sld [smem:$0x3FAF]  }
0x2d: {  	s3 =	simm.s32 $0x108;
	s8 =	sld [smem:$0x3FB0]  }
0x2e: {  	s3 =	simm.s32 @!p0 $0x1082;
	s9 =	sld [smem:$0x3FB1]  }
0x2f: {  	lr =	sadd.s32 s0, s3;
	s0 =	sld [smem:$0x3FA8]  }
0x30: {  	s3 =	sld [smem:$0x3FAB]  }
0x31: {  	[smem:$0x3FB4] =	sst s10  }
0x32: {  	s10 =	sld [smem:$0x3FB2];
	_ =	sdelay $0x3  }
0x33: {  	p0 =	seq.s32 s10, $0x1;
	s10 =	sld [smem:$0x3FB4];
	_ =	sdelay $0x3  }
0x34: {  	[smem:$0x3FB4] =	sst s10  }
0x35: {  	s10 =	sld [smem:$0x3FB3];
	_ =	sdelay $0x3  }
0x36: {  	p1 =	seq.s32 s10, $0x1;
	s10 =	sld [smem:$0x3FB4];
	_ =	sdelay $0x3  }
0x37: {  	[smem:$0x3FB4] =	sst s10  }
0x38: {  	s10 =	sld [smem:$0x3FB5]  }
0x39: {  	_ = 	snop;
	(pc) =	sbr.ind lr, $3  }
0x3a: {  	_ = 	snop  }
0x3b: {  	_ = 	snop  }
0x3c: {  	p2 =	seq.s32 s10, $0x1;
	s10 =	sld [smem:$0x3FB4]  }
0x3d: {  	_ =	shalt  }
0x3e: {  	_ =	shalt  }
0x3f: {  	_ =	shalt  }
0x40: {  	_ =	shalt  }
0x41: {  	_ =	shalt  }
0x42: {  	_ =	shalt  }
0x43: {  	_ =	shalt  }
0x44: {  	_ =	shalt  }
0x45: {  	_ =	shalt  }
0x46: {  	_ =	shalt  }
0x47: {  	_ =	shalt  }
0x48: {  	_ =	shalt  }
0x49: {  	_ =	shalt  }
0x4a: {  	_ =	shalt  }
0x4b: {  	_ =	shalt  }
0x4c: {  	_ =	shalt  }
0x4d: {  	_ =	shalt  }
0x4e: {  	_ =	shalt  }
0x4f: {  	_ =	shalt  }
0x50: {  	_ =	shalt  }
0x51: {  	_ =	shalt  }
0x52: {  	_ =	shalt  }
0x53: {  	_ =	shalt  }
0x54: {  	_ =	shalt  }
0x55: {  	_ =	shalt  }
0x56: {  	_ =	shalt  }
0x57: {  	_ =	shalt  }
0x58: {  	_ =	shalt  }
0x59: {  	_ =	shalt  }
0x5a: {  	_ =	shalt  }
0x5b: {  	_ =	shalt  }
0x5c: {  	_ =	shalt  }
0x5d: {  	_ =	shalt  }
0x5e: {  	_ =	shalt  }
0x5f: {  	_ =	shalt  }
0x60: {  	_ =	shalt  }
0x61: {  	_ =	shalt  }
0x62: {  	_ =	shalt  }
0x63: {  	_ =	shalt  }
0x64: {  	_ =	shalt  }
0x65: {  	_ =	shalt  }
0x66: {  	_ =	shalt  }
0x67: {  	_ =	shalt  }
0x68: {  	_ =	shalt  }
0x69: {  	_ =	shalt  }
0x6a: {  	_ =	shalt  }
0x6b: {  	_ =	shalt  }
0x6c: {  	_ =	shalt  }
0x6d: {  	_ =	shalt  }
0x6e: {  	_ =	shalt  }
0x6f: {  	_ =	shalt  }
0x70: {  	_ =	shalt  }
0x71: {  	_ =	shalt  }
0x72: {  	_ =	shalt  }
0x73: {  	_ =	shalt  }
0x74: {  	_ =	shalt  }
0x75: {  	_ =	shalt  }
0x76: {  	_ =	shalt  }
0x77: {  	_ =	shalt  }
0x78: {  	_ =	shalt  }
0x79: {  	_ =	shalt  }
0x7a: {  	_ =	shalt  }
0x7b: {  	_ =	shalt  }
0x7c: {  	_ =	shalt  }
0x7d: {  	_ =	shalt  }
0x7e: {  	_ =	shalt  }
0x7f: {  	_ =	shalt  }
0x80: {  	_ =	shalt  }
0x81: {  	_ =	shalt  }
0x82: {  	_ =	shalt  }
0x83: {  	_ =	shalt  }
0x84: {  	_ =	shalt  }
0x85: {  	_ =	shalt  }
0x86: {  	_ =	shalt  }
0x87: {  	_ =	shalt  }
.Lfunc_end0:
.L_simem_size_0:
called_computation_lowered:
.L_overlay_start_0:
0x88: {  	s2 =	sld [smem:$0x3FD9]  }
0x89: {  	s3 =	sld [smem:$0x3FFE];
	_ =	sdelay $0x1  }
0x8a: {  	s1 =	srdreg.scid  }
0x8b: {  	s0 =	sand.u32 $0x1, s1  }
0x8c: {  	s16 =	sshll.u32 s0, $0xA;
	s2 =	sadd.s32 s3, s2  }
0x8d: {  	s2 =	sadd.s32 s2, s16  }
0x8e: {  	[smem:$0x3FC0] =	sst s2  }
0x8f: {  	_ = 	snop  }
0x90: {  	(tm) =	ssettm $0x1  }
0x91: {  	s17 =	sld [smem:$0x3FFB];
	_ =	sdelay $0x3  }
0x92: {  	_ =	strace s17  }
0x93: {  	s2 =	sld [smem:$0x3FFC];
	_ =	sdelay $0x3  }
0x94: {  	_ =	strace s2  }
0x95: {  	s2 =	sld [smem:$0x3FFD];
	_ =	sdelay $0x3  }
0x96: {  	_ =	strace s2  }
0x97: {  	_ =	strace $0x8FFFFFFF  }
0x98: {  	s18 =	sld [smem:$0x3FDB];
	_ =	sdelay $0x1  }
0x99: {  	s19 =	simm.s32 $_scs_section_size  }
0x9a: {  	s4 =	simm.s32 $_size__tile_overlayer_lowered;
	s5 =	simm.s32 $_tile_overlayer_lowered  }
0x9b: {  	s22 =	simm.s32 $0x1BFF;
	s21 =	sshll.u32 s5, $0x1;
	s2 =	sadd.s32 s19, s18  }
0x9c: {  	s6 =	simm.s32 $0x0;
	s20 =	sshll.u32 s4, $0x1;
	s4 =	sadd.s32 s21, s2  }
0x9d: {  	[timem:s6], [sflag:s22] =	dma.local [hbm:s4], s20  }
0x9e: {  	_ =	swait.ge [sflag:s22], s20  }
0x9f: {  	s3 =	ssub.s32 $0x0, s20;
	[sflag:s22] =	ssyncset.done $0x0  }
0xa0: {  	[sflag:s22] =	ssyncadd.s32 s3;
	_ =	sdelay $0x1  }
0xa1: {  	s23 =	simm.s32 $0x1B8B  }
0xa2: {  	_ =	swait.ge [sflag:s23], $0x1  }
0xa3: {  	[sflag:s23] =	ssyncset.done $0x0  }
0xa4: {  	s25 =	simm.s32 $0x1B8E;
	s24 =	sld [smem:$0x3FFE];
	[sflag:s23] =	ssyncadd.s32 $0xFFFFFFFF  }
0xa5: {  	s26 =	simm.s32 $execute0_lowered;
	[smem:$0x3FD2] =	sst s25  }
0xa6: {  	s4 =	sshll.u32 s26, $0x1;
	_ =	strace $0x80000046;
	[dreg:$0x1] =	wrdreg $0xFFFFFFFF  }
0xa7: {  	s28 =	simm.s32 $_size_execute0_lowered;
	s2 =	sadd.s32 s2, s4;
	[dreg:$0x0] =	wrdreg $0x0  }
0xa8: {  	s4 =	sshll.u32 s28, $0x1;
	[dreg:$0x2] =	wrdreg s2  }
0xa9: {  	[dreg:$0x3] =	wrdreg s4  }
0xaa: {  	[dreg:$0x4] =	wrdreg $0xC0  }
0xab: {  	_ =	task [dreg:s6], $0x5FFFF  }
0xac: {  	[dreg:$0x1] =	wrdreg $0xFFFFFFFF  }
0xad: {  	[dreg:$0x0] =	wrdreg $0x60  }
0xae: {  	[dreg:$0x2] =	wrdreg s24  }
0xaf: {  	[dreg:$0x3] =	wrdreg $0x9  }
0xb0: {  	_ =	task.clear_ibuf [dreg:s6], $0x4FFFF;
	_ =	strace $0x90000046  }
0xb1: {  	s29 =	simm.s32 $0x9;
	_ =	strace $0x80000048  }
0xb2: {  	_ =	swait.ge [sflag:s29], $0x1  }
0xb3: {  	[sflag:s29] =	ssyncadd.s32 $0xFFFFFFFF  }
0xb4: {  	_ =	strace $0x90000048  }
0xb5: {  	_ =	sfence  }
0xb6: {  	s30 =	sld [smem:$0x0];
	_ =	sdelay $0x2  }
0xb7: {  	s31 =	sshll.u32 s1, $0xD;
	s1 =	sshrl.u32 s1, $0x2  }
0xb8: {  	s3 =	sand.u32 $0x4000, s31;
	s1 =	sadd.s32 s1, s30  }
0xb9: {  	s0 =	sor.u32 s3, s0;
	s1 =	sshll.u32 s1, $0x11  }
0xba: {  	s0 =	sor.u32 s1, s0  }
0xbb: {  	s0 =	sadd.s32 $0x8F2B, s0  }
0xbc: {  	[sflag:s0] =	ssyncadd.remote.s32 $0x1  }
0xbd: {  	_ =	sfence.sel $0xFFFF  }
0xbe: {  	[dreg:$0x0] =	wrdreg $0xFFFFFFFF;
	(pc) =	sbr.abs _section_cstart, $3  }
0xbf: {  	[dreg:$0x1] =	wrdreg $0xFFFFFFFF  }
0xc0: {  	_ =	task.clear_ibuf [dreg:s6], $0x2FFFF;
	_ =	strace $0x9FFFFFFF  }
0xc1: {  	(tm) =	ssettm $0x7FFFFFFF  }
tec
execute0_lowered:
.L_overlay_start_1:
0x0: {  	(tag) =	ssettag $0x1  }
0x1: {  	s4 =	rddreg [dreg:$0x0]  }
0x2: {  	s0 =	rddreg [dreg:$0x1];
	s1 =	simm.s32 $0x0  }
0x3: {  	s5 =	srdreg.scid;
	s2 =	stileid.u32;
	s13 =	simm.s32 $0x4100  }
0x4: {  	s14 =	simm.s32 $0x0;
	[smem:$0x7FF] =	sst s1;
	s3 =	sadd.s32 $0x211C00, s4  }
0x5: {  	s6 =	sand.u32 $0x1, s5;
	s8 =	sadd.s32 $0x101C00, s4;
	s25 =	sshll.u32 s2, $0xF  }
0x6: {  	s9 =	sadd.s32 $0x311C00, s4;
	s30 =	sshll.u32 s2, $0x13;
	s7 =	sshll.u32 s6, $0xE  }
0x7: {  	_ =	strace $0x80000047;
	s26 =	ssub.s32 $0x2, s6;
	s7 =	sor.u32 s7, s25  }
0x8: {  	s31 =	sshll.u32 s6, $0x12;
	s28 =	sshrl.u32 s26, $0x1;
	s10 =	sshrl.u32 s7, $0x3  }
0x9: {  	s11 =	sshll.u32 s7, $0x4;
	s5 =	ssub.s32 s26, s28;
	s7 =	sor.u32 $0x80, s7  }
0xa: {  	s4 =	sadd.s32 s8, s10;
	s29 =	sadd.s32 s9, s11;
	s5 =	smax.u32 s5, $0x1  }
0xb: {  	s9 =	sadd.s32 s30, s9;
	s12 =	sshrl.u32 s7, $0x3;
	s10 =	simm.s32 $0x80  }
0xc: {  	s11 =	simm.s32 $0x100;
	s6 =	sadd.s32 $0x3F800, s29;
	s7 =	sadd.s32 s31, s9  }
0xd: {  	s8 =	sadd.s32 s12, s8;
	s9 =	simm.s32 $0x2;
	s12 =	simm.s32 $0x1  }
.LBB2_1:
0xe: {  	[tilespmem:s1], [sflag:$0x2] =	stream.linear.gather [hbm4b:s4+s1], $0x80, $0x38;
	[tilespmem:$0x8100] =	vst v63  }
0xf: {  	_ =	swait.ge [sflag:s9], $0x80  }
0x10: {  	s15 =	sand.u32 $0x1, s1;
	[sflag:s9] =	ssyncset.done $0x0  }
0x11: {  	s16 =	sxor.u32 $0x1, s15;
	[sflag:s9] =	ssyncadd.s32 $0xFFFFFF80  }
0x12: {  	[tilespmem:s11], [sflag:$0x1] =	stream.indirect.gather [hbm4b:s3+s10], $0x80, s1, s10, $0xb8;
	[tilespmem:$0x8100] =	vst v63  }
0x13: {  	s17 =	sshll.u32 s16, $0x7  }
0x14: {  	[tilespmem:s17], [sflag:$0x2] =	stream.linear.gather [hbm4b:s8+s1], $0x80, $0x38;
	[tilespmem:$0x8100] =	vst v63  }
0x15: {  	_ =	swait.ge [sflag:s9], $0x80  }
0x16: {  	s16 =	sshll.u32 s16, $0xE;
	[sflag:s9] =	ssyncset.done $0x0  }
0x17: {  	s16 =	sor.u32 $0x100, s16;
	[sflag:s9] =	ssyncadd.s32 $0xFFFFFF80  }
0x18: {  	[tilespmem:s16], [sflag:$0x1] =	stream.indirect.gather [hbm4b:s3+s10], $0x80, s17, s10, $0xb8;
	[tilespmem:$0x8100] =	vst v63  }
0x19: {  	s31 =	simm.s32 $0x1;
	_ =	swait.ge [sflag:s12], $0x4000  }
0x1a: {  	s19 =	simm.s32 $0x2;
	s15 =	sshll.u32 s15, $0xE;
	[sflag:s12] =	ssyncset.done $0x0  }
0x1b: {  	s15 =	sor.u32 $0x100, s15;
	s17 =	sand.u32 $0x1, s31;
	[sflag:s12] =	ssyncadd.s32 $0xFFFFC000  }
0x1c: {  	[hbm4b:s7+s1] =	stream.linear.scatter [tilespmem:s15], [sflag:$0x2], $0x4000, $0x38;
	[tilespmem:$0x8100] =	vst v63  }
0x1d: {  	s16 =	sadd.s32 $0x10, s8;
	s18 =	sxor.u32 $0x1, s17;
	_ =	swait.ge [sflag:s9], $0x4000  }
0x1e: {  	s17 =	sshll.u32 s17, $0xE;
	s15 =	sadd.s32 $0x800, s7;
	[sflag:s9] =	ssyncset.done $0x0  }
.LBB2_2:
0x1f: {  	s20 =	sshll.u32 s18, $0x7  }
0x20: {  	[sflag:s9] =	ssyncadd.s32 $0xFFFFC000;
	s21 =	smov.u32 s19;
	s22 =	sadd.s32 $0x1, s19  }
0x21: {  	[tilespmem:s20], [sflag:$0x2] =	stream.linear.gather [hbm4b:s16+s1], $0x80, $0x38;
	[tilespmem:$0x8100] =	vst v63  }
0x22: {  	p0 =	sne.s32 s19, $0x7E;
	_ =	swait.ge [sflag:s9], $0x80  }
0x23: {  	s18 =	sshll.u32 s18, $0xE;
	[sflag:s9] =	ssyncset.done $0x0  }
0x24: {  	s18 =	sor.u32 $0x100, s18;
	[sflag:s9] =	ssyncadd.s32 $0xFFFFFF80  }
0x25: {  	[tilespmem:s18], [sflag:$0x1] =	stream.indirect.gather [hbm4b:s3+s10], $0x80, s20, s10, $0xb8;
	[tilespmem:$0x8100] =	vst v63  }
0x26: {  	_ =	swait.ge [sflag:s12], $0x4000  }
.Ltmp0:
0x27: {  	s17 =	sor.u32 $0x100, s17;
	[sflag:s12] =	ssyncset.done $0x0;
	(pc) =	sbr.rel @p0 .LBB2_2-.Ltmp0, $4  }
0x28: {  	s16 =	sadd.s32 $0x10, s16;
	s19 =	smov.u32 s22;
	[sflag:s12] =	ssyncadd.s32 $0xFFFFC000  }
0x29: {  	[hbm4b:s15+s1] =	stream.linear.scatter [tilespmem:s17], [sflag:$0x2], $0x4000, $0x38;
	[tilespmem:$0x8100] =	vst v63  }
0x2a: {  	s17 =	sand.u32 $0x1, s21;
	s15 =	sadd.s32 $0x800, s15;
	_ =	swait.ge [sflag:s9], $0x4000  }
0x2b: {  	s18 =	sxor.u32 $0x1, s17;
	s17 =	sshll.u32 s17, $0xE;
	[sflag:s9] =	ssyncset.done $0x0  }
0x2c: {  	s19 =	sshll.u32 s18, $0x7;
	[sflag:s9] =	ssyncadd.s32 $0xFFFFC000  }
0x2d: {  	[tilespmem:s19], [sflag:$0x2] =	stream.linear.gather [hbm4b:s16+s1], $0x80, $0x38;
	[tilespmem:$0x8100] =	vst v63  }
0x2e: {  	_ =	swait.ge [sflag:s9], $0x80  }
0x2f: {  	s30 =	sshll.u32 s18, $0xE;
	[sflag:s9] =	ssyncset.done $0x0  }
0x30: {  	s16 =	sor.u32 $0x100, s30;
	[sflag:s9] =	ssyncadd.s32 $0xFFFFFF80  }
0x31: {  	[tilespmem:s16], [sflag:$0x1] =	stream.indirect.gather [hbm4b:s3+s10], $0x80, s19, s10, $0xb8;
	[tilespmem:$0x8100] =	vst v63  }
0x32: {  	_ =	swait.ge [sflag:s12], $0x4000  }
0x33: {  	[sflag:s12] =	ssyncset.done $0x0  }
0x34: {  	s31 =	sor.u32 $0x100, s17;
	[sflag:s12] =	ssyncadd.s32 $0xFFFFC000  }
0x35: {  	[hbm4b:s15+s1] =	stream.linear.scatter [tilespmem:s31], [sflag:$0x2], $0x4000, $0x38;
	[tilespmem:$0x8100] =	vst v63  }
0x36: {  	_ =	swait.ge [sflag:s9], $0x4000  }
0x37: {  	[sflag:s9] =	ssyncset.done $0x0  }
0x38: {  	[sflag:s9] =	ssyncadd.s32 $0xFFFFC000  }
0x39: {  	s14 =	sadd.s32 $0x1, s14;
	_ =	swait.ge [sflag:s12], $0x4000  }
0x3a: {  	p0 =	sne.s32 s14, s5;
	[sflag:s12] =	ssyncset.done $0x0  }
.Ltmp1:
0x3b: {  	[sflag:s12] =	ssyncadd.s32 $0xFFFFC000;
	(pc) =	sbr.rel @p0 .LBB2_1-.Ltmp1, $4  }
0x3c: {  	[hbm4b:s6+s1] =	stream.linear.scatter [tilespmem:s13], [sflag:$0x2], $0x4000, $0x38;
	[tilespmem:$0x8100] =	vst v63  }
0x3d: {  	_ =	swait.ge [sflag:s9], $0x4000  }
0x3e: {  	[sflag:s9] =	ssyncset.done $0x0  }
0x3f: {  	[sflag:s9] =	ssyncadd.s32 $0xFFFFC000  }
0x40: {  	_ =	sfence.sel $0x180000  }
0x41: {  	[bflag:$0x0] =	sbarrier.arrive $0xFFFF  }
0x42: {  	p0 =	sne.s32 s2, $0x0;
	_ =	strace $0x90000047  }
0x43: {  	s0 =	sadd.s32 @!p0 $0x100000, s0;
	[bflag:$0x2] =	sbarrier.arrive $0xFFFF  }
0x44: {  	[sflag:s0] =	ssyncadd.tile.s32 @!p0 $0x1;
	_ =	shalt  }
.Lfunc_end2:
_tile_overlayer_lowered:
.L_overlay_start_2:
0x45: {  	(tag) =	ssettag $0x2  }
0x46: {  	s0 =	rddreg [dreg:$0x0];
	s2 =	stileid.u32  }
0x47: {  	s1 =	rddreg [dreg:$0x1];
	p0 =	sne.s32 s2, $0x0  }
0x48: {  	s3 =	rddreg [dreg:$0x2];
	[bflag:$0x3] =	sbarrier.arrive $0xFFFF;
	s2 =	simm.s32 @!p0 $0x1C02  }
0x49: {  	[timem:s3], [sflag:s2] =	dma.local @!p0 [hbm:s0], s1  }
0x4a: {  	s0 =	simm.s32 @!p0 $0x2  }
0x4b: {  	_ =	swait.ge @!p0 [sflag:s0], s1  }
0x4c: {  	s1 =	ssub.s32 @!p0 $0x0, s1;
	[sflag:s0] =	ssyncset.done @!p0 $0x0  }
0x4d: {  	[sflag:s0] =	ssyncadd.s32 @!p0 s1  }
0x4e: {  	[bflag:$0x3] =	sbarrier.arrive $0xFFFF  }
0x4f: {  	_ =	shalt  }

</sc_bundles>
